<compile_context>
chip_gen: v7x
topology: tpu7x:2x2x1
jax: 0.10.2.dev20260603
libtpu: 0.0.44.dev20260713+nightly
codegen_flags: <defaults>
</compile_context>

<pallas_src>
import functools

import numpy as np

import jax
import jax.numpy as jnp
from jax import lax
from jax.experimental import pallas as pl
from jax.experimental.pallas import tpu as pltpu
from jax.experimental.pallas import tpu_sc as plsc

NN = 10000
DD = 2048
EE = 640000
NP = 10112
RPS = NP // 16

B = 112
NW = 32
NB = (EE + NN + NW * B - 1) // (NW * B)
PERW = NB * B
EP = NW * PERW

TW = 128
W1L = 80
W2L = 32

_P80 = np.zeros((64, W1L), np.float32)
for _h in range(8):
    for _c in range(8):
        _P80[_h * 8 + _c, _h * 10 + _c] = 1.0
_S80 = np.zeros((W1L, W1L), np.float32)
for _c in range(W1L):
    _S80[(_c // 10) * 10 + 8, _c] = 1.0
_G80 = np.zeros((W1L, 64), np.float32)
for _h in range(8):
    for _c in range(8):
        _G80[_h * 10 + _c, _h * 8 + _c] = 1.0


def _tca_body(x_ref, w_ref, p1_ref, bias_ref, pre_ref, t1_ref, mx_ref):
    m_i = pl.program_id(0)
    k_i = pl.program_id(1)

    @pl.when(k_i == 0)
    def _init():
        pre_ref[...] = jnp.zeros_like(pre_ref)

    pre_ref[...] += jnp.dot(x_ref[...], w_ref[...],
                            preferred_element_type=jnp.float32)

    @pl.when(k_i == 3)
    def _fin():
        pre = pre_ref[...] + bias_ref[...]
        pre_ref[...] = pre
        h64 = pre[:, :64]
        col = lax.broadcasted_iota(jnp.int32, (400, TW), 1)
        ones80 = jnp.where((col % 10 == 8) & (col < W1L), 1.0, 0.0)
        t1 = jnp.dot(h64, p1_ref[...],
                     preferred_element_type=jnp.float32) + ones80
        t1_ref[...] = t1
        bs = jnp.max(t1[:, W1L:W1L + 16], axis=0, keepdims=True)
        bd = jnp.max(t1[:, W1L + 16:W1L + 32], axis=0, keepdims=True)
        upd = jnp.concatenate(
            [bs, bd, jnp.full((6, 16), -1e30, jnp.float32)], axis=0)

        @pl.when(m_i == 0)
        def _mx0():
            mx_ref[...] = upd

        @pl.when(m_i > 0)
        def _mxu():
            mx_ref[...] = jnp.maximum(mx_ref[...], upd)


def _run_tca(x, wcat, p1, bias_cat):
    return pl.pallas_call(
        _tca_body,
        grid=(25, 4),
        in_specs=[
            pl.BlockSpec((400, 512), lambda m, k: (m, k)),
            pl.BlockSpec((512, 384), lambda m, k: (k, 0)),
            pl.BlockSpec((64, TW), lambda m, k: (0, 0)),
            pl.BlockSpec((1, 384), lambda m, k: (0, 0)),
        ],
        out_specs=[
            pl.BlockSpec((400, 384), lambda m, k: (m, 0)),
            pl.BlockSpec((400, TW), lambda m, k: (m, 0)),
            pl.BlockSpec((8, 16), lambda m, k: (0, 0)),
        ],
        out_shape=[
            jax.ShapeDtypeStruct((NN, 384), jnp.float32),
            jax.ShapeDtypeStruct((NN, TW), jnp.float32),
            jax.ShapeDtypeStruct((8, 16), jnp.float32),
        ],
    )(x, wcat, p1, bias_cat)


def _make_sc_edge(accw, a_off, d_off, nsl, gather_ex):
    mesh = plsc.VectorSubcoreMesh(core_axis_name="c", subcore_axis_name="s")
    scratch = [
        pltpu.VMEM((B,), jnp.int32),
        pltpu.VMEM((B,), jnp.int32),
        pltpu.VMEM((B, TW), jnp.float32),
        pltpu.VMEM((B, TW), jnp.float32),
        pltpu.VMEM((32,), jnp.float32),
        pltpu.VMEM((B, TW), jnp.float32),
        pltpu.VMEM((8, 16), jnp.float32),
        pltpu.VMEM_SHARED((NP, TW), jnp.float32),
        pltpu.SemaphoreType.DMA,
        pltpu.SemaphoreType.DMA,
    ]

    @functools.partial(
        pl.kernel, mesh=mesh,
        out_type=jax.ShapeDtypeStruct((2, NP, TW), jnp.float32),
        scratch_types=scratch,
        compiler_params=pltpu.CompilerParams(needs_layout_passes=False),
    )
    def _sc(srcp, dstp, tab, mx, zer, acc_out,
            src_v, dst_v, s_v, d_v, exd_v, comb_v, mx_v,
            acc_sh, sem1, sem2):
        cid = lax.axis_index("c")
        sid = lax.axis_index("s")
        wid = sid * 2 + cid
        pltpu.sync_copy(zer.at[pl.ds(sid * RPS, RPS)],
                        acc_sh.at[pl.ds(sid * RPS, RPS)])
        pltpu.sync_copy(mx, mx_v)
        ksum = mx_v[0, :] + mx_v[1, :]
        k16 = jnp.where(ksum > 0.0, ksum, 0.2 * ksum)
        lane = lax.iota(jnp.int32, 16)
        hidx = [(lane + (j * 16)) // 10 for j in range(nsl)]
        zv = jnp.zeros((16,), jnp.float32)

        def zrow(b, zcarry):
            for j in range(nsl, TW // 16):
                comb_v[b, pl.ds(j * 16, 16)] = zv
            return zcarry

        lax.fori_loop(0, B, zrow, 0)
        plsc.subcore_barrier()
        base0 = wid * PERW

        def blk(i, carry):
            base = base0 + i * B
            pltpu.sync_copy(srcp.at[pl.ds(base, B)], src_v)
            pltpu.sync_copy(dstp.at[pl.ds(base, B)], dst_v)
            ca = pltpu.async_copy(tab.at[src_v], s_v, sem1)
            cb = pltpu.async_copy(tab.at[dst_v], d_v, sem2)
            ca.wait()
            cb.wait()

            def edge(bp, ecarry):
                for u in range(2):
                    b = bp * 2 + u
                    av = s_v[b, pl.ds(a_off, 16)]
                    dv = d_v[b, pl.ds(d_off, 16)]
                    s = av + dv
                    ex = jnp.exp(jnp.where(s > 0.0, s, 0.2 * s) - k16)
                    if gather_ex:
                        exd_v[pl.ds(u * 16, 16)] = ex
                        for j in range(nsl):
                            hh = s_v[b, pl.ds(j * 16, 16)]
                            exg = plsc.load_gather(exd_v,
                                                   [u * 16 + hidx[j]])
                            comb_v[b, pl.ds(j * 16, 16)] = exg * hh
                    else:
                        for j in range(nsl):
                            hh = s_v[b, pl.ds(j * 16, 16)]
                            comb_v[b, pl.ds(j * 16, 16)] = ex * hh
                return ecarry

            lax.fori_loop(0, B // 2, edge, 0)
            pltpu.sync_copy(comb_v, acc_sh.at[dst_v], add=True)
            return carry

        lax.fori_loop(0, NB, blk, 0)
        plsc.subcore_barrier()
        pltpu.sync_copy(acc_sh.at[pl.ds(sid * RPS, RPS)],
                        acc_out.at[cid, pl.ds(sid * RPS, RPS)])

    return _sc


_sc_edge1 = _make_sc_edge(W1L, 80, 96, 5, True)
_sc_edge2 = _make_sc_edge(W2L, 32, 48, 2, False)


def _tcb_body(a0_ref, a1_ref, s_ref, g_ref, b1_ref, w2_ref, as2_ref, ad2_ref,
              t2_ref, mx2_ref):
    m_i = pl.program_id(0)
    acc = a0_ref[...] + a1_ref[...]
    den = jnp.dot(acc, s_ref[...], preferred_element_type=jnp.float32)
    rat = acc / (den + 1e-16)
    out1 = jnp.dot(rat, g_ref[...],
                   preferred_element_type=jnp.float32) + b1_ref[...]
    h1 = jnp.where(out1 > 0.0, out1, jnp.exp(jnp.minimum(out1, 0.0)) - 1.0)
    h2p = jnp.dot(h1, w2_ref[...], preferred_element_type=jnp.float32)
    col = lax.broadcasted_iota(jnp.int32, h2p.shape, 1)
    h2x = h2p + jnp.where(col == 21, 1.0, 0.0)
    als2 = jnp.dot(h2p, as2_ref[...], preferred_element_type=jnp.float32)
    ald2 = jnp.dot(h2p, ad2_ref[...], preferred_element_type=jnp.float32)
    nrow = h2p.shape[0]
    t2_ref[...] = jnp.concatenate(
        [h2x, als2, ald2, jnp.zeros((nrow, TW - W2L - 32), jnp.float32)],
        axis=1)
    bs = jnp.max(als2, axis=0, keepdims=True)
    bd = jnp.max(ald2, axis=0, keepdims=True)
    upd = jnp.concatenate(
        [bs, bd, jnp.full((6, 16), -1e30, jnp.float32)], axis=0)

    @pl.when(m_i == 0)
    def _mx0():
        mx2_ref[...] = upd

    @pl.when(m_i > 0)
    def _mxu():
        mx2_ref[...] = jnp.maximum(mx2_ref[...], upd)


def _run_tcb(a0, a1, s80, g80, b1r, w2p, as2m, ad2m):
    mrows = NP // 4
    return pl.pallas_call(
        _tcb_body,
        grid=(4,),
        in_specs=[
            pl.BlockSpec((mrows, W1L), lambda m: (m, 0)),
            pl.BlockSpec((mrows, W1L), lambda m: (m, 0)),
            pl.BlockSpec((W1L, W1L), lambda m: (0, 0)),
            pl.BlockSpec((W1L, 64), lambda m: (0, 0)),
            pl.BlockSpec((1, 64), lambda m: (0, 0)),
            pl.BlockSpec((64, W2L), lambda m: (0, 0)),
            pl.BlockSpec((W2L, 16), lambda m: (0, 0)),
            pl.BlockSpec((W2L, 16), lambda m: (0, 0)),
        ],
        out_specs=[
            pl.BlockSpec((mrows, TW), lambda m: (m, 0)),
            pl.BlockSpec((8, 16), lambda m: (0, 0)),
        ],
        out_shape=[
            jax.ShapeDtypeStruct((NP, TW), jnp.float32),
            jax.ShapeDtypeStruct((8, 16), jnp.float32),
        ],
    )(a0, a1, s80, g80, b1r, w2p, as2m, ad2m)


def _tcc_body(a0_ref, a1_ref, b2_ref, wn_ref, bn_ref, ns_ref, gs_ref):
    m_i = pl.program_id(0)
    acc = a0_ref[...] + a1_ref[...]
    col = lax.broadcasted_iota(jnp.int32, acc.shape, 1)
    densel = jnp.where(col == 21, 1.0, 0.0)
    den = jnp.sum(acc * densel, axis=1, keepdims=True)
    h2 = acc / (den + 1e-16) + b2_ref[...]
    logits = jnp.dot(h2, wn_ref[...],
                     preferred_element_type=jnp.float32) + bn_ref[...]
    logits = logits + jnp.where(col >= 21, -1e30, 0.0)
    rowmax = jnp.max(logits, axis=1, keepdims=True)
    eo = jnp.exp(logits - rowmax)
    ns = eo / jnp.sum(eo, axis=1, keepdims=True)
    ns_ref[...] = ns
    rid = lax.broadcasted_iota(jnp.int32, acc.shape, 0) + m_i * acc.shape[0]
    gpart = jnp.sum(jnp.where(rid < NN, ns, 0.0), axis=0,
                    keepdims=True) * (1.0 / NN)

    @pl.when(m_i == 0)
    def _g0():
        gs_ref[...] = gpart

    @pl.when(m_i > 0)
    def _gu():
        gs_ref[...] += gpart


def _run_tcc(a0, a1, b2r, wnp, bnp):
    mrows = NP // 4
    return pl.pallas_call(
        _tcc_body,
        grid=(4,),
        in_specs=[
            pl.BlockSpec((mrows, W2L), lambda m: (m, 0)),
            pl.BlockSpec((mrows, W2L), lambda m: (m, 0)),
            pl.BlockSpec((1, W2L), lambda m: (0, 0)),
            pl.BlockSpec((W2L, W2L), lambda m: (0, 0)),
            pl.BlockSpec((1, W2L), lambda m: (0, 0)),
        ],
        out_specs=[
            pl.BlockSpec((mrows, W2L), lambda m: (m, 0)),
            pl.BlockSpec((1, W2L), lambda m: (0, 0)),
        ],
        out_shape=[
            jax.ShapeDtypeStruct((NP, W2L), jnp.float32),
            jax.ShapeDtypeStruct((1, W2L), jnp.float32),
        ],
    )(a0, a1, b2r, wnp, bnp)


def kernel(x, iou_edge, sim_edge, W1, att_src1, att_dst1, bias1,
           W2, att_src2, att_dst2, bias2, Wn, bn, Wref, bref, Wbb, bbb):
    f32 = jnp.float32
    loops = jnp.arange(NN, dtype=jnp.int32)
    pad = EP - (EE + NN)
    pad_src = jnp.zeros((pad,), jnp.int32)
    pad_dst = jnp.full((pad,), NN, jnp.int32)
    s1 = jnp.concatenate([iou_edge[0], loops, pad_src])
    d1 = jnp.concatenate([iou_edge[1], loops, pad_dst])
    s2 = jnp.concatenate([sim_edge[0], loops, pad_src])
    d2 = jnp.concatenate([sim_edge[1], loops, pad_dst])

    wcat = jnp.concatenate([W1, Wref, Wbb, jnp.zeros((DD, 5), f32)], axis=1)
    bias_cat = jnp.concatenate(
        [jnp.zeros((64,), f32), bref, bbb, jnp.zeros((5,), f32)]
    ).reshape(1, 384)
    eye8 = jnp.eye(8, dtype=f32)
    as1 = (att_src1[:, :, None] * eye8[:, None, :]).reshape(64, 8)
    ad1 = (att_dst1[:, :, None] * eye8[:, None, :]).reshape(64, 8)
    p1 = jnp.concatenate(
        [jnp.asarray(_P80), as1, as1, ad1, ad1, jnp.zeros((64, 16), f32)],
        axis=1)
    s80 = jnp.asarray(_S80)
    g80 = jnp.asarray(_G80)
    b1r = bias1.reshape(1, 64)
    w2p = jnp.concatenate([W2, jnp.zeros((64, W2L - 21), f32)], axis=1)
    a2s = jnp.concatenate([att_src2.reshape(-1), jnp.zeros((11,), f32)])
    a2d = jnp.concatenate([att_dst2.reshape(-1), jnp.zeros((11,), f32)])
    as2m = jnp.broadcast_to(a2s[:, None], (W2L, 16))
    ad2m = jnp.broadcast_to(a2d[:, None], (W2L, 16))
    wnp = jnp.zeros((W2L, W2L), f32).at[:21, :21].set(Wn)
    bnp = jnp.concatenate([bn, jnp.zeros((11,), f32)]).reshape(1, W2L)
    b2r = jnp.concatenate([bias2, jnp.zeros((11,), f32)]).reshape(1, W2L)
    z1 = jnp.zeros((NP, TW), f32)
    z2 = jnp.zeros((NP, TW), f32)

    pre, t1, mx1 = _run_tca(x, wcat, p1, bias_cat)
    t1p = jnp.concatenate([t1, jnp.zeros((NP - NN, TW), f32)], axis=0)

    acc1 = _sc_edge1(s1, d1, t1p, mx1, z1)

    t2, mx2 = _run_tcb(acc1[0, :, :W1L], acc1[1, :, :W1L], s80, g80, b1r, w2p, as2m, ad2m)

    acc2 = _sc_edge2(s2, d2, t2, mx2, z2)

    ns, gs = _run_tcc(acc2[0, :, :W2L], acc2[1, :, :W2L], b2r, wnp, bnp)

    node_score = ns[:NN, :21]
    graph_score = gs[0, :21]
    ref1 = pre[:, 64:85]
    ref2 = pre[:, 85:106]
    ref3 = pre[:, 106:127]
    bb1 = pre[:, 127:211]
    bb2 = pre[:, 211:295]
    bb3 = pre[:, 295:379]
    return (graph_score, node_score, ref1, ref2, ref3, bb1, bb2, bb3)

# --- scband reference (transcript-rebuilt; emitter-appended) ---
"""Pipeline reference for scband-gcnpredictor-74165495267521 (READ-ONLY COPY).

The authoritative reference and input builder live on the scoring server;
editing this copy changes nothing except your own understanding.
"""

import jax, jax.numpy as jnp
import numpy as np

N = 10000
D = 2048
E = 640000
H1, C1 = 8, 8
H2 = 1
NC = 21


def _with_loops(edge_index, n):
    loops = jnp.arange(n, dtype=edge_index.dtype)
    src = jnp.concatenate([edge_index[0], loops])
    dst = jnp.concatenate([edge_index[1], loops])
    return src, dst


def _gat(x, src, dst, W, a_src, a_dst, b, H, C):
    n = x.shape[0]
    h = (x @ W).reshape(n, H, C)
    al_s = (h * a_src[None, :, :]).sum(-1)
    al_d = (h * a_dst[None, :, :]).sum(-1)
    alpha = jax.nn.leaky_relu(al_s[src] + al_d[dst], negative_slope=0.2)
    m = jax.ops.segment_max(alpha, dst, num_segments=n)
    m = jnp.where(jnp.isneginf(m), 0.0, m)
    ex = jnp.exp(alpha - m[dst])
    den = jax.ops.segment_sum(ex, dst, num_segments=n)
    att = ex / (den[dst] + 1e-16)
    out = jax.ops.segment_sum(att[:, :, None] * h[src], dst, num_segments=n)
    return out.reshape(n, H * C) + b, att


def setup_inputs(seed: int = 0):
    key = jax.random.key(seed)
    ks = jax.random.split(key, 20)
    s = 0.05
    inp = {}
    inp['x'] = jax.random.normal(ks[0], (N, D), dtype=jnp.float32)
    inp['iou_edge'] = jax.random.randint(ks[1], (2, E), 0, N, dtype=jnp.int32)
    inp['sim_edge'] = jax.random.randint(ks[2], (2, E), 0, N, dtype=jnp.int32)
    inp['W1'] = jax.random.normal(ks[3], (D, H1 * C1), dtype=jnp.float32) * s
    inp['att_src1'] = jax.random.normal(ks[4], (H1, C1), dtype=jnp.float32) * s
    inp['att_dst1'] = jax.random.normal(ks[5], (H1, C1), dtype=jnp.float32) * s
    inp['bias1'] = jnp.zeros((H1 * C1,), dtype=jnp.float32)
    inp['W2'] = jax.random.normal(ks[6], (H1 * C1, H2 * NC), dtype=jnp.float32) * s
    inp['att_src2'] = jax.random.normal(ks[7], (H2, NC), dtype=jnp.float32) * s
    inp['att_dst2'] = jax.random.normal(ks[8], (H2, NC), dtype=jnp.float32) * s
    inp['bias2'] = jnp.zeros((H2 * NC,), dtype=jnp.float32)
    inp['Wn'] = jax.random.normal(ks[9], (NC, NC), dtype=jnp.float32) * s
    inp['bn'] = jnp.zeros((NC,), dtype=jnp.float32)
    inp['Wref'] = jax.random.normal(ks[10], (D, 3 * NC), dtype=jnp.float32) * 0.001
    inp['bref'] = jnp.zeros((3 * NC,), dtype=jnp.float32)
    inp['Wbb'] = jax.random.normal(ks[11], (D, 3 * 4 * NC), dtype=jnp.float32) * 0.001
    inp['bbb'] = jnp.zeros((3 * 4 * NC,), dtype=jnp.float32)
    return inp


def reference(x, iou_edge, sim_edge, W1, att_src1, att_dst1, bias1, W2, att_src2, att_dst2, bias2, Wn, bn, Wref, bref, Wbb, bbb):
    n = x.shape[0]
    s1, d1 = _with_loops(iou_edge, n)
    s2, d2 = _with_loops(sim_edge, n)
    h1, att1 = _gat(x, s1, d1, W1, att_src1, att_dst1, bias1, H1, C1)
    h1 = jax.nn.elu(h1)  # dropout is identity in eval mode
    h2, att2 = _gat(h1, s2, d2, W2, att_src2, att_dst2, bias2, H2, NC)
    node_score = jax.nn.softmax(h2 @ Wn + bn, axis=1)
    w1 = att1.mean(1)
    w2 = att2.mean(1)
    # a_matrix is sparse: a[a_ind[0], a_ind[1]] = (w1 + w2)/2 built on disjoint scatters
    # graph_score = matmul(a_matrix, node_score).sum(0) / n
    graph_score = ((w1 * 0.5)[:, None] * node_score[d1]).sum(0)
    graph_score = graph_score + ((w2 * 0.5)[:, None] * node_score[d2]).sum(0)
    graph_score = graph_score / n
    ref = x @ Wref + bref
    bbox = x @ Wbb + bbb
    ref1, ref2, ref3 = jnp.split(ref, 3, axis=1)
    bb1, bb2, bb3 = jnp.split(bbox, 3, axis=1)
    return (graph_score, node_score, ref1, ref2, ref3, bb1, bb2, bb3)

if __name__ == "__main__":
    import jax
    _d = setup_inputs()
    print(jax.jit(kernel)(*tuple(_d.values())))

</pallas_src>

<mosaic_0001>
#map = affine_map<(d0, d1) -> (0)>
#map1 = affine_map<(d0, d1) -> (0, 0)>
#map2 = affine_map<(d0, d1) -> (0, 0, 0)>
module attributes {stable_mosaic.version = 14 : i64} {
  func.func @_sc(%arg0: i32, %arg1: i32, %arg2: memref<652288xi32, #tpu.memory_space<hbm>>, %arg3: memref<652288xi32, #tpu.memory_space<hbm>>, %arg4: memref<10112x128xf32, #tpu.memory_space<hbm>>, %arg5: memref<8x16xf32, #tpu.memory_space<hbm>>, %arg6: memref<10112x128xf32, #tpu.memory_space<hbm>>, %arg7: memref<2x10112x128xf32, #tpu.memory_space<hbm>>, %arg8: memref<112xi32, #tpu.memory_space<vmem>>, %arg9: memref<112xi32, #tpu.memory_space<vmem>>, %arg10: memref<112x128xf32, #tpu.memory_space<vmem>>, %arg11: memref<112x128xf32, #tpu.memory_space<vmem>>, %arg12: memref<32xf32, #tpu.memory_space<vmem>>, %arg13: memref<112x128xf32, #tpu.memory_space<vmem>>, %arg14: memref<8x16xf32, #tpu.memory_space<vmem>>, %arg15: memref<10112x128xf32, #tpu.memory_space<vmem_shared>>, %arg16: memref<!tpu.dma_semaphore, #tpu.memory_space<semaphore_mem>>, %arg17: memref<!tpu.dma_semaphore, #tpu.memory_space<semaphore_mem>>) attributes {dimension_semantics = [#tpu.dimension_semantics<core_parallel>, #tpu.dimension_semantics<subcore_parallel>], iteration_bounds = array<i64: 2, 16>, scalar_prefetch = 0 : i64, scratch_operands = 10 : i64, tpu.core_type = #tpu.core_type<sc_vector_subcore>, window_params = [{transform_indices = #map}, {transform_indices = #map}, {transform_indices = #map1}, {transform_indices = #map1}, {transform_indices = #map1}, {transform_indices = #map2}]} {
    %mul3A = arith.constant 2 : i32
    %mul3A_0 = arith.muli %arg1, %mul3A : i32
    %add3A = arith.addi %mul3A_0, %arg0 : i32
    %mul3A_1 = arith.constant 632 : i32
    %mul3A_2 = arith.muli %arg1, %mul3A_1 : i32
    %mul3A_3 = arith.constant 632 : i32
    %mul3A_4 = arith.muli %arg1, %mul3A_3 : i32
    "tpu.region"() ({
      %run_scoped3A = tpu.sem_alloc : memref<!tpu.dma_semaphore, #tpu.memory_space<semaphore_mem>>
      %dma_start3A = arith.constant 0 : i32
      %dma_start3A_98 = tpu.memref_slice %arg15[%mul3A_4, %dma_start3A] : memref<10112x128xf32, #tpu.memory_space<vmem_shared>> -> memref<632x128xf32, #tpu.memory_space<vmem_shared>>
      %dma_start3A_99 = arith.constant 0 : i32
      %dma_start3A_100 = tpu.memref_slice %arg6[%mul3A_2, %dma_start3A_99] : memref<10112x128xf32, #tpu.memory_space<hbm>> -> memref<632x128xf32, #tpu.memory_space<hbm>>
      tpu.enqueue_dma source(%dma_start3A_100 : memref<632x128xf32, #tpu.memory_space<hbm>>) target(%dma_start3A_98 : memref<632x128xf32, #tpu.memory_space<vmem_shared>>) target_semaphore(%run_scoped3A : memref<!tpu.dma_semaphore, #tpu.memory_space<semaphore_mem>>)
      %dma_wait3A = arith.constant 0 : i32
      %dma_wait3A_101 = tpu.memref_slice %arg15[%mul3A_4, %dma_wait3A] : memref<10112x128xf32, #tpu.memory_space<vmem_shared>> -> memref<632x128xf32, #tpu.memory_space<vmem_shared>>
      %dma_wait3A_102 = arith.constant 0 : i32
      %dma_wait3A_103 = tpu.memref_slice %arg6[%mul3A_2, %dma_wait3A_102] : memref<10112x128xf32, #tpu.memory_space<hbm>> -> memref<632x128xf32, #tpu.memory_space<hbm>>
      tpu.wait_dma2 semaphore(%run_scoped3A : memref<!tpu.dma_semaphore, #tpu.memory_space<semaphore_mem>>) src(%dma_wait3A_103 : memref<632x128xf32, #tpu.memory_space<hbm>>) dst(%dma_wait3A_101 : memref<632x128xf32, #tpu.memory_space<vmem_shared>>)
      tpu.yield
    }) : () -> ()
    "tpu.region"() ({
      %run_scoped3A = tpu.sem_alloc : memref<!tpu.dma_semaphore, #tpu.memory_space<semaphore_mem>>
      tpu.enqueue_dma source(%arg5 : memref<8x16xf32, #tpu.memory_space<hbm>>) target(%arg14 : memref<8x16xf32, #tpu.memory_space<vmem>>) target_semaphore(%run_scoped3A : memref<!tpu.dma_semaphore, #tpu.memory_space<semaphore_mem>>)
      tpu.wait_dma2 semaphore(%run_scoped3A : memref<!tpu.dma_semaphore, #tpu.memory_space<semaphore_mem>>) src(%arg5 : memref<8x16xf32, #tpu.memory_space<hbm>>) dst(%arg14 : memref<8x16xf32, #tpu.memory_space<vmem>>)
      tpu.yield
    }) : () -> ()
    %get3A = arith.constant 0 : i32
    %get3A_5 = arith.index_cast %get3A : i32 to index
    %get3A_6 = arith.constant 0 : index
    %get3A_7 = tpu.vector_load %arg14[%get3A_5, %get3A_6] {strides = array<i32>} : memref<8x16xf32, #tpu.memory_space<vmem>>, vector<16xf32>,
    %get3A_8 = arith.constant 1 : i32
    %get3A_9 = arith.index_cast %get3A_8 : i32 to index
    %get3A_10 = arith.constant 0 : index
    %get3A_11 = tpu.vector_load %arg14[%get3A_9, %get3A_10] {strides = array<i32>} : memref<8x16xf32, #tpu.memory_space<vmem>>, vector<16xf32>,
    %add3A_12 = arith.addf %get3A_7, %get3A_11 : vector<16xf32>
    %gt3A = arith.constant 0.000000e+00 : f32
    %gt3A_13 = vector.broadcast %gt3A : f32 to vector<16xf32>
    %gt3A_14 = arith.cmpf ogt, %add3A_12, %gt3A_13 : vector<16xf32>
    %mul3A_15 = arith.constant 2.000000e-01 : f32
    %mul3A_16 = vector.broadcast %mul3A_15 : f32 to vector<16xf32>
    %mul3A_17 = arith.mulf %mul3A_16, %add3A_12 : vector<16xf32>
    %select_n3A = arith.select %gt3A_14, %add3A_12, %mul3A_17 : vector<16xi1>, vector<16xf32>
    %iota3A = tpu.iota {dimensions = array<i32: 0>} : vector<16xi32>
    %add3A_18 = arith.constant 0 : i32
    %add3A_19 = vector.broadcast %add3A_18 : i32 to vector<16xi32>
    %add3A_20 = arith.addi %iota3A, %add3A_19 : vector<16xi32>
    %jit3A = arith.constant 10 : i32
    %div3A = vector.broadcast %jit3A : i32 to vector<16xi32>
    %div3A_21 = arith.divsi %add3A_20, %div3A : vector<16xi32>
    %sign3A = arith.constant 0 : i32
    %sign3A_22 = vector.broadcast %sign3A : i32 to vector<16xi32>
    %sign3A_23 = arith.cmpi sgt, %add3A_20, %sign3A_22 : vector<16xi32>
    %sign3A_24 = arith.extui %sign3A_23 : vector<16xi1> to vector<16xi32>
    %sign3A_25 = arith.constant 0 : i32
    %sign3A_26 = vector.broadcast %sign3A_25 : i32 to vector<16xi32>
    %sign3A_27 = arith.cmpi slt, %add3A_20, %sign3A_26 : vector<16xi32>
    %sign3A_28 = arith.extui %sign3A_27 : vector<16xi1> to vector<16xi32>
    %sign3A_29 = arith.subi %sign3A_24, %sign3A_28 : vector<16xi32>
    %sign3A_30 = arith.constant 0 : i32
    %sign3A_31 = arith.cmpi sgt, %jit3A, %sign3A_30 : i32
    %sign3A_32 = arith.extui %sign3A_31 : i1 to i32
    %sign3A_33 = arith.constant 0 : i32
    %sign3A_34 = arith.cmpi slt, %jit3A, %sign3A_33 : i32
    %sign3A_35 = arith.extui %sign3A_34 : i1 to i32
    %sign3A_36 = arith.subi %sign3A_32, %sign3A_35 : i32
    %ne3A = vector.broadcast %sign3A_36 : i32 to vector<16xi32>
    %ne3A_37 = arith.cmpi ne, %sign3A_29, %ne3A : vector<16xi32>
    %rem3A = vector.broadcast %jit3A : i32 to vector<16xi32>
    %rem3A_38 = arith.remsi %add3A_20, %rem3A : vector<16xi32>
    %ne3A_39 = arith.constant 0 : i32
    %ne3A_40 = vector.broadcast %ne3A_39 : i32 to vector<16xi32>
    %ne3A_41 = arith.cmpi ne, %rem3A_38, %ne3A_40 : vector<16xi32>
    %and3A = arith.andi %ne3A_37, %ne3A_41 : vector<16xi1>
    %sub3A = arith.constant 1 : i32
    %sub3A_42 = vector.broadcast %sub3A : i32 to vector<16xi32>
    %sub3A_43 = arith.subi %div3A_21, %sub3A_42 : vector<16xi32>
    %select_n3A_44 = arith.select %and3A, %sub3A_43, %div3A_21 : vector<16xi1>, vector<16xi32>
    %add3A_45 = arith.constant 16 : i32
    %add3A_46 = vector.broadcast %add3A_45 : i32 to vector<16xi32>
    %add3A_47 = arith.addi %iota3A, %add3A_46 : vector<16xi32>
    %jit3A_48 = arith.constant 10 : i32
    %div3A_49 = vector.broadcast %jit3A_48 : i32 to vector<16xi32>
    %div3A_50 = arith.divsi %add3A_47, %div3A_49 : vector<16xi32>
    %sign3A_51 = arith.constant 0 : i32
    %sign3A_52 = vector.broadcast %sign3A_51 : i32 to vector<16xi32>
    %sign3A_53 = arith.cmpi sgt, %add3A_47, %sign3A_52 : vector<16xi32>
    %sign3A_54 = arith.extui %sign3A_53 : vector<16xi1> to vector<16xi32>
    %sign3A_55 = arith.constant 0 : i32
    %sign3A_56 = vector.broadcast %sign3A_55 : i32 to vector<16xi32>
    %sign3A_57 = arith.cmpi slt, %add3A_47, %sign3A_56 : vector<16xi32>
    %sign3A_58 = arith.extui %sign3A_57 : vector<16xi1> to vector<16xi32>
    %sign3A_59 = arith.subi %sign3A_54, %sign3A_58 : vector<16xi32>
    %sign3A_60 = arith.constant 0 : i32
    %sign3A_61 = arith.cmpi sgt, %jit3A_48, %sign3A_60 : i32
    %sign3A_62 = arith.extui %sign3A_61 : i1 to i32
    %sign3A_63 = arith.constant 0 : i32
    %sign3A_64 = arith.cmpi slt, %jit3A_48, %sign3A_63 : i32
    %sign3A_65 = arith.extui %sign3A_64 : i1 to i32
    %sign3A_66 = arith.subi %sign3A_62, %sign3A_65 : i32
    %ne3A_67 = vector.broadcast %sign3A_66 : i32 to vector<16xi32>
    %ne3A_68 = arith.cmpi ne, %sign3A_59, %ne3A_67 : vector<16xi32>
    %rem3A_69 = vector.broadcast %jit3A_48 : i32 to vector<16xi32>
    %rem3A_70 = arith.remsi %add3A_47, %rem3A_69 : vector<16xi32>
    %ne3A_71 = arith.constant 0 : i32
    %ne3A_72 = vector.broadcast %ne3A_71 : i32 to vector<16xi32>
    %ne3A_73 = arith.cmpi ne, %rem3A_70, %ne3A_72 : vector<16xi32>
    %and3A_74 = arith.andi %ne3A_68, %ne3A_73 : vector<16xi1>
    %sub3A_75 = arith.constant 1 : i32
    %sub3A_76 = vector.broadcast %sub3A_75 : i32 to vector<16xi32>
    %sub3A_77 = arith.subi %div3A_50, %sub3A_76 : vector<16xi32>
    %select_n3A_78 = arith.select %and3A_74, %sub3A_77, %div3A_50 : vector<16xi1>, vector<16xi32>
    %broadcast_in_dim3A = arith.constant 0.000000e+00 : f32
    %broadcast_in_dim3A_79 = vector.broadcast %broadcast_in_dim3A : f32 to vector<16xf32>
    %scan3A = arith.constant 0 : i32
    %scan3A_80 = arith.constant 0 : i32
    %scan3A_81 = arith.constant 112 : i32
    %scan3A_82 = arith.addi %scan3A_80, %scan3A_81 : i32
    %scan3A_83 = arith.constant 1 : i32
    scf.for %scan3A_98 = %scan3A_80 to %scan3A_82 step %scan3A_83  : i32 {
      %swap3A = arith.index_cast %scan3A_98 : i32 to index
      %swap3A_99 = arith.constant 32 : index
      %swap3A_100 = tpu.vector_load %arg13[%swap3A, %swap3A_99] {strides = array<i32>} : memref<112x128xf32, #tpu.memory_space<vmem>>, vector<16xf32>,
      tpu.vector_store %arg13[%swap3A, %swap3A_99], %broadcast_in_dim3A_79 {strides = array<i32>} : memref<112x128xf32, #tpu.memory_space<vmem>>, vector<16xf32>,
      %swap3A_101 = arith.index_cast %scan3A_98 : i32 to index
      %swap3A_102 = arith.constant 48 : index
      %swap3A_103 = tpu.vector_load %arg13[%swap3A_101, %swap3A_102] {strides = array<i32>} : memref<112x128xf32, #tpu.memory_space<vmem>>, vector<16xf32>,
      tpu.vector_store %arg13[%swap3A_101, %swap3A_102], %broadcast_in_dim3A_79 {strides = array<i32>} : memref<112x128xf32, #tpu.memory_space<vmem>>, vector<16xf32>,
      %swap3A_104 = arith.index_cast %scan3A_98 : i32 to index
      %swap3A_105 = arith.constant 64 : index
      %swap3A_106 = tpu.vector_load %arg13[%swap3A_104, %swap3A_105] {strides = array<i32>} : memref<112x128xf32, #tpu.memory_space<vmem>>, vector<16xf32>,
      tpu.vector_store %arg13[%swap3A_104, %swap3A_105], %broadcast_in_dim3A_79 {strides = array<i32>} : memref<112x128xf32, #tpu.memory_space<vmem>>, vector<16xf32>,
      %swap3A_107 = arith.index_cast %scan3A_98 : i32 to index
      %swap3A_108 = arith.constant 80 : index
      %swap3A_109 = tpu.vector_load %arg13[%swap3A_107, %swap3A_108] {strides = array<i32>} : memref<112x128xf32, #tpu.memory_space<vmem>>, vector<16xf32>,
      tpu.vector_store %arg13[%swap3A_107, %swap3A_108], %broadcast_in_dim3A_79 {strides = array<i32>} : memref<112x128xf32, #tpu.memory_space<vmem>>, vector<16xf32>,
      %swap3A_110 = arith.index_cast %scan3A_98 : i32 to index
      %swap3A_111 = arith.constant 96 : index
      %swap3A_112 = tpu.vector_load %arg13[%swap3A_110, %swap3A_111] {strides = array<i32>} : memref<112x128xf32, #tpu.memory_space<vmem>>, vector<16xf32>,
      tpu.vector_store %arg13[%swap3A_110, %swap3A_111], %broadcast_in_dim3A_79 {strides = array<i32>} : memref<112x128xf32, #tpu.memory_space<vmem>>, vector<16xf32>,
      %swap3A_113 = arith.index_cast %scan3A_98 : i32 to index
      %swap3A_114 = arith.constant 112 : index
      %swap3A_115 = tpu.vector_load %arg13[%swap3A_113, %swap3A_114] {strides = array<i32>} : memref<112x128xf32, #tpu.memory_space<vmem>>, vector<16xf32>,
      tpu.vector_store %arg13[%swap3A_113, %swap3A_114], %broadcast_in_dim3A_79 {strides = array<i32>} : memref<112x128xf32, #tpu.memory_space<vmem>>, vector<16xf32>,
    }
    %scan3A_84 = arith.constant 112 : i32
    %barrier3A = arith.constant 0 : index
    tpu.barrier barrier_id(%barrier3A)
    %mul3A_85 = arith.constant 20384 : i32
    %mul3A_86 = arith.muli %add3A, %mul3A_85 : i32
    %scan3A_87 = arith.constant 0 : i32
    %scan3A_88 = arith.constant 0 : i32
    %scan3A_89 = arith.constant 182 : i32
    %scan3A_90 = arith.addi %scan3A_88, %scan3A_89 : i32
    %scan3A_91 = arith.constant 1 : i32
    scf.for %scan3A_98 = %scan3A_88 to %scan3A_90 step %scan3A_91  : i32 {
      %mul3A_99 = arith.constant 112 : i32
      %mul3A_100 = arith.muli %scan3A_98, %mul3A_99 : i32
      %add3A_101 = arith.addi %mul3A_86, %mul3A_100 : i32
      "tpu.region"() ({
        %run_scoped3A = tpu.sem_alloc : memref<!tpu.dma_semaphore, #tpu.memory_space<semaphore_mem>>
        %dma_start3A_118 = tpu.memref_slice %arg2[%add3A_101] : memref<652288xi32, #tpu.memory_space<hbm>> -> memref<112xi32, #tpu.memory_space<hbm>>
        %dma_start3A_119 = tpu.memref_slice %arg2[%add3A_101] : memref<652288xi32, #tpu.memory_space<hbm>> -> memref<112xi32, #tpu.memory_space<hbm>>
        tpu.enqueue_dma source(%dma_start3A_119 : memref<112xi32, #tpu.memory_space<hbm>>) target(%arg8 : memref<112xi32, #tpu.memory_space<vmem>>) target_semaphore(%run_scoped3A : memref<!tpu.dma_semaphore, #tpu.memory_space<semaphore_mem>>)
        %dma_wait3A_120 = tpu.memref_slice %arg2[%add3A_101] : memref<652288xi32, #tpu.memory_space<hbm>> -> memref<112xi32, #tpu.memory_space<hbm>>
        %dma_wait3A_121 = tpu.memref_slice %arg2[%add3A_101] : memref<652288xi32, #tpu.memory_space<hbm>> -> memref<112xi32, #tpu.memory_space<hbm>>
        tpu.wait_dma2 semaphore(%run_scoped3A : memref<!tpu.dma_semaphore, #tpu.memory_space<semaphore_mem>>) src(%dma_wait3A_121 : memref<112xi32, #tpu.memory_space<hbm>>) dst(%arg8 : memref<112xi32, #tpu.memory_space<vmem>>)
        tpu.yield
      }) : () -> ()
      "tpu.region"() ({
        %run_scoped3A = tpu.sem_alloc : memref<!tpu.dma_semaphore, #tpu.memory_space<semaphore_mem>>
        %dma_start3A_118 = tpu.memref_slice %arg3[%add3A_101] : memref<652288xi32, #tpu.memory_space<hbm>> -> memref<112xi32, #tpu.memory_space<hbm>>
        %dma_start3A_119 = tpu.memref_slice %arg3[%add3A_101] : memref<652288xi32, #tpu.memory_space<hbm>> -> memref<112xi32, #tpu.memory_space<hbm>>
        tpu.enqueue_dma source(%dma_start3A_119 : memref<112xi32, #tpu.memory_space<hbm>>) target(%arg9 : memref<112xi32, #tpu.memory_space<vmem>>) target_semaphore(%run_scoped3A : memref<!tpu.dma_semaphore, #tpu.memory_space<semaphore_mem>>)
        %dma_wait3A_120 = tpu.memref_slice %arg3[%add3A_101] : memref<652288xi32, #tpu.memory_space<hbm>> -> memref<112xi32, #tpu.memory_space<hbm>>
        %dma_wait3A_121 = tpu.memref_slice %arg3[%add3A_101] : memref<652288xi32, #tpu.memory_space<hbm>> -> memref<112xi32, #tpu.memory_space<hbm>>
        tpu.wait_dma2 semaphore(%run_scoped3A : memref<!tpu.dma_semaphore, #tpu.memory_space<semaphore_mem>>) src(%dma_wait3A_121 : memref<112xi32, #tpu.memory_space<hbm>>) dst(%arg9 : memref<112xi32, #tpu.memory_space<vmem>>)
        tpu.yield
      }) : () -> ()
      %dma_start3A = arith.constant 0 : i32
      %dma_start3A_102 = arith.constant 0 : i32
      %dma_start3A_103 = tpu.memref_slice %arg4[%dma_start3A, %dma_start3A_102] : memref<10112x128xf32, #tpu.memory_space<hbm>> -> memref<10112x128xf32, #tpu.memory_space<hbm>>
      tpu.enqueue_indirect_dma source(%dma_start3A_103 : memref<10112x128xf32, #tpu.memory_space<hbm>>) target(%arg10 : memref<112x128xf32, #tpu.memory_space<vmem>>) offsets(%arg8 : memref<112xi32, #tpu.memory_space<vmem>>) semaphore(%arg16 : memref<!tpu.dma_semaphore, #tpu.memory_space<semaphore_mem>>)
      %dma_start3A_104 = arith.constant 0 : i32
      %dma_start3A_105 = arith.constant 0 : i32
      %dma_start3A_106 = tpu.memref_slice %arg4[%dma_start3A_104, %dma_start3A_105] : memref<10112x128xf32, #tpu.memory_space<hbm>> -> memref<10112x128xf32, #tpu.memory_space<hbm>>
      tpu.enqueue_indirect_dma source(%dma_start3A_106 : memref<10112x128xf32, #tpu.memory_space<hbm>>) target(%arg11 : memref<112x128xf32, #tpu.memory_space<vmem>>) offsets(%arg9 : memref<112xi32, #tpu.memory_space<vmem>>) semaphore(%arg17 : memref<!tpu.dma_semaphore, #tpu.memory_space<semaphore_mem>>)
      %dma_wait3A = arith.constant 0 : i32
      %dma_wait3A_107 = arith.constant 0 : i32
      %dma_wait3A_108 = tpu.memref_slice %arg4[%dma_wait3A, %dma_wait3A_107] : memref<10112x128xf32, #tpu.memory_space<hbm>> -> memref<10112x128xf32, #tpu.memory_space<hbm>>
      tpu.wait_indirect_dma semaphore(%arg16 : memref<!tpu.dma_semaphore, #tpu.memory_space<semaphore_mem>>) src(%dma_wait3A_108 : memref<10112x128xf32, #tpu.memory_space<hbm>>) dst(%arg10 : memref<112x128xf32, #tpu.memory_space<vmem>>)
      %dma_wait3A_109 = arith.constant 0 : i32
      %dma_wait3A_110 = arith.constant 0 : i32
      %dma_wait3A_111 = tpu.memref_slice %arg4[%dma_wait3A_109, %dma_wait3A_110] : memref<10112x128xf32, #tpu.memory_space<hbm>> -> memref<10112x128xf32, #tpu.memory_space<hbm>>
      tpu.wait_indirect_dma semaphore(%arg17 : memref<!tpu.dma_semaphore, #tpu.memory_space<semaphore_mem>>) src(%dma_wait3A_111 : memref<10112x128xf32, #tpu.memory_space<hbm>>) dst(%arg11 : memref<112x128xf32, #tpu.memory_space<vmem>>)
      %scan3A_112 = arith.constant 0 : i32
      %scan3A_113 = arith.constant 0 : i32
      %scan3A_114 = arith.constant 56 : i32
      %scan3A_115 = arith.addi %scan3A_113, %scan3A_114 : i32
      %scan3A_116 = arith.constant 1 : i32
      scf.for %scan3A_118 = %scan3A_113 to %scan3A_115 step %scan3A_116  : i32 {
        %mul3A_119 = arith.constant 2 : i32
        %mul3A_120 = arith.muli %scan3A_118, %mul3A_119 : i32
        %add3A_121 = arith.constant 0 : i32
        %add3A_122 = arith.addi %mul3A_120, %add3A_121 : i32
        %get3A_123 = arith.index_cast %add3A_122 : i32 to index
        %get3A_124 = arith.constant 32 : index
        %get3A_125 = tpu.vector_load %arg10[%get3A_123, %get3A_124] {strides = array<i32>} : memref<112x128xf32, #tpu.memory_space<vmem>>, vector<16xf32>,
        %get3A_126 = arith.index_cast %add3A_122 : i32 to index
        %get3A_127 = arith.constant 48 : index
        %get3A_128 = tpu.vector_load %arg11[%get3A_126, %get3A_127] {strides = array<i32>} : memref<112x128xf32, #tpu.memory_space<vmem>>, vector<16xf32>,
        %add3A_129 = arith.addf %get3A_125, %get3A_128 : vector<16xf32>
        %gt3A_130 = arith.constant 0.000000e+00 : f32
        %gt3A_131 = vector.broadcast %gt3A_130 : f32 to vector<16xf32>
        %gt3A_132 = arith.cmpf ogt, %add3A_129, %gt3A_131 : vector<16xf32>
        %mul3A_133 = arith.constant 2.000000e-01 : f32
        %mul3A_134 = vector.broadcast %mul3A_133 : f32 to vector<16xf32>
        %mul3A_135 = arith.mulf %mul3A_134, %add3A_129 : vector<16xf32>
        %select_n3A_136 = arith.select %gt3A_132, %add3A_129, %mul3A_135 : vector<16xi1>, vector<16xf32>
        %sub3A_137 = arith.subf %select_n3A_136, %select_n3A : vector<16xf32>
        %exp3A = math.exp %sub3A_137 : vector<16xf32>
        %get3A_138 = arith.index_cast %add3A_122 : i32 to index
        %get3A_139 = arith.constant 0 : index
        %get3A_140 = tpu.vector_load %arg10[%get3A_138, %get3A_139] {strides = array<i32>} : memref<112x128xf32, #tpu.memory_space<vmem>>, vector<16xf32>,
        %mul3A_141 = arith.mulf %exp3A, %get3A_140 : vector<16xf32>
        %swap3A = arith.index_cast %add3A_122 : i32 to index
        %swap3A_142 = arith.constant 0 : index
        %swap3A_143 = tpu.vector_load %arg13[%swap3A, %swap3A_142] {strides = array<i32>} : memref<112x128xf32, #tpu.memory_space<vmem>>, vector<16xf32>,
        tpu.vector_store %arg13[%swap3A, %swap3A_142], %mul3A_141 {strides = array<i32>} : memref<112x128xf32, #tpu.memory_space<vmem>>, vector<16xf32>,
        %get3A_144 = arith.index_cast %add3A_122 : i32 to index
        %get3A_145 = arith.constant 16 : index
        %get3A_146 = tpu.vector_load %arg10[%get3A_144, %get3A_145] {strides = array<i32>} : memref<112x128xf32, #tpu.memory_space<vmem>>, vector<16xf32>,
        %mul3A_147 = arith.mulf %exp3A, %get3A_146 : vector<16xf32>
        %swap3A_148 = arith.index_cast %add3A_122 : i32 to index
        %swap3A_149 = arith.constant 16 : index
        %swap3A_150 = tpu.vector_load %arg13[%swap3A_148, %swap3A_149] {strides = array<i32>} : memref<112x128xf32, #tpu.memory_space<vmem>>, vector<16xf32>,
        tpu.vector_store %arg13[%swap3A_148, %swap3A_149], %mul3A_147 {strides = array<i32>} : memref<112x128xf32, #tpu.memory_space<vmem>>, vector<16xf32>,
        %mul3A_151 = arith.constant 2 : i32
        %mul3A_152 = arith.muli %scan3A_118, %mul3A_151 : i32
        %add3A_153 = arith.constant 1 : i32
        %add3A_154 = arith.addi %mul3A_152, %add3A_153 : i32
        %get3A_155 = arith.index_cast %add3A_154 : i32 to index
        %get3A_156 = arith.constant 32 : index
        %get3A_157 = tpu.vector_load %arg10[%get3A_155, %get3A_156] {strides = array<i32>} : memref<112x128xf32, #tpu.memory_space<vmem>>, vector<16xf32>,
        %get3A_158 = arith.index_cast %add3A_154 : i32 to index
        %get3A_159 = arith.constant 48 : index
        %get3A_160 = tpu.vector_load %arg11[%get3A_158, %get3A_159] {strides = array<i32>} : memref<112x128xf32, #tpu.memory_space<vmem>>, vector<16xf32>,
        %add3A_161 = arith.addf %get3A_157, %get3A_160 : vector<16xf32>
        %gt3A_162 = arith.constant 0.000000e+00 : f32
        %gt3A_163 = vector.broadcast %gt3A_162 : f32 to vector<16xf32>
        %gt3A_164 = arith.cmpf ogt, %add3A_161, %gt3A_163 : vector<16xf32>
        %mul3A_165 = arith.constant 2.000000e-01 : f32
        %mul3A_166 = vector.broadcast %mul3A_165 : f32 to vector<16xf32>
        %mul3A_167 = arith.mulf %mul3A_166, %add3A_161 : vector<16xf32>
        %select_n3A_168 = arith.select %gt3A_164, %add3A_161, %mul3A_167 : vector<16xi1>, vector<16xf32>
        %sub3A_169 = arith.subf %select_n3A_168, %select_n3A : vector<16xf32>
        %exp3A_170 = math.exp %sub3A_169 : vector<16xf32>
        %get3A_171 = arith.index_cast %add3A_154 : i32 to index
        %get3A_172 = arith.constant 0 : index
        %get3A_173 = tpu.vector_load %arg10[%get3A_171, %get3A_172] {strides = array<i32>} : memref<112x128xf32, #tpu.memory_space<vmem>>, vector<16xf32>,
        %mul3A_174 = arith.mulf %exp3A_170, %get3A_173 : vector<16xf32>
        %swap3A_175 = arith.index_cast %add3A_154 : i32 to index
        %swap3A_176 = arith.constant 0 : index
        %swap3A_177 = tpu.vector_load %arg13[%swap3A_175, %swap3A_176] {strides = array<i32>} : memref<112x128xf32, #tpu.memory_space<vmem>>, vector<16xf32>,
        tpu.vector_store %arg13[%swap3A_175, %swap3A_176], %mul3A_174 {strides = array<i32>} : memref<112x128xf32, #tpu.memory_space<vmem>>, vector<16xf32>,
        %get3A_178 = arith.index_cast %add3A_154 : i32 to index
        %get3A_179 = arith.constant 16 : index
        %get3A_180 = tpu.vector_load %arg10[%get3A_178, %get3A_179] {strides = array<i32>} : memref<112x128xf32, #tpu.memory_space<vmem>>, vector<16xf32>,
        %mul3A_181 = arith.mulf %exp3A_170, %get3A_180 : vector<16xf32>
        %swap3A_182 = arith.index_cast %add3A_154 : i32 to index
        %swap3A_183 = arith.constant 16 : index
        %swap3A_184 = tpu.vector_load %arg13[%swap3A_182, %swap3A_183] {strides = array<i32>} : memref<112x128xf32, #tpu.memory_space<vmem>>, vector<16xf32>,
        tpu.vector_store %arg13[%swap3A_182, %swap3A_183], %mul3A_181 {strides = array<i32>} : memref<112x128xf32, #tpu.memory_space<vmem>>, vector<16xf32>,
      }
      %scan3A_117 = arith.constant 56 : i32
      "tpu.region"() ({
        %run_scoped3A = tpu.sem_alloc : memref<!tpu.dma_semaphore, #tpu.memory_space<semaphore_mem>>
        %dma_start3A_118 = arith.constant 0 : i32
        %dma_start3A_119 = arith.constant 0 : i32
        %dma_start3A_120 = tpu.memref_slice %arg15[%dma_start3A_118, %dma_start3A_119] : memref<10112x128xf32, #tpu.memory_space<vmem_shared>> -> memref<10112x128xf32, #tpu.memory_space<vmem_shared>>
        tpu.enqueue_indirect_dma source(%arg13 : memref<112x128xf32, #tpu.memory_space<vmem>>) target(%dma_start3A_120 : memref<10112x128xf32, #tpu.memory_space<vmem_shared>>) offsets(%arg9 : memref<112xi32, #tpu.memory_space<vmem>>) semaphore(%run_scoped3A : memref<!tpu.dma_semaphore, #tpu.memory_space<semaphore_mem>>) {add = true}
        %dma_wait3A_121 = arith.constant 0 : i32
        %dma_wait3A_122 = arith.constant 0 : i32
        %dma_wait3A_123 = tpu.memref_slice %arg15[%dma_wait3A_121, %dma_wait3A_122] : memref<10112x128xf32, #tpu.memory_space<vmem_shared>> -> memref<10112x128xf32, #tpu.memory_space<vmem_shared>>
        tpu.wait_indirect_dma semaphore(%run_scoped3A : memref<!tpu.dma_semaphore, #tpu.memory_space<semaphore_mem>>) src(%arg13 : memref<112x128xf32, #tpu.memory_space<vmem>>) dst(%dma_wait3A_123 : memref<10112x128xf32, #tpu.memory_space<vmem_shared>>)
        tpu.yield
      }) : () -> ()
    }
    %scan3A_92 = arith.constant 182 : i32
    %barrier3A_93 = arith.constant 0 : index
    tpu.barrier barrier_id(%barrier3A_93)
    %mul3A_94 = arith.constant 632 : i32
    %mul3A_95 = arith.muli %arg1, %mul3A_94 : i32
    %mul3A_96 = arith.constant 632 : i32
    %mul3A_97 = arith.muli %arg1, %mul3A_96 : i32
    "tpu.region"() ({
      %run_scoped3A = tpu.sem_alloc : memref<!tpu.dma_semaphore, #tpu.memory_space<semaphore_mem>>
      %dma_start3A = arith.constant 0 : i32
      %dma_start3A_98 = tpu.memref_slice %arg7[%arg0, %mul3A_97, %dma_start3A] : memref<2x10112x128xf32, #tpu.memory_space<hbm>> -> memref<1x632x128xf32, #tpu.memory_space<hbm>>
      %dma_start3A_99 = tpu.memref_squeeze %dma_start3A_98 : memref<1x632x128xf32, #tpu.memory_space<hbm>> -> memref<632x128xf32, #tpu.memory_space<hbm>>
      %dma_start3A_100 = arith.constant 0 : i32
      %dma_start3A_101 = tpu.memref_slice %arg15[%mul3A_95, %dma_start3A_100] : memref<10112x128xf32, #tpu.memory_space<vmem_shared>> -> memref<632x128xf32, #tpu.memory_space<vmem_shared>>
      tpu.enqueue_dma source(%dma_start3A_101 : memref<632x128xf32, #tpu.memory_space<vmem_shared>>) target(%dma_start3A_99 : memref<632x128xf32, #tpu.memory_space<hbm>>) target_semaphore(%run_scoped3A : memref<!tpu.dma_semaphore, #tpu.memory_space<semaphore_mem>>)
      %dma_wait3A = arith.constant 0 : i32
      %dma_wait3A_102 = tpu.memref_slice %arg7[%arg0, %mul3A_97, %dma_wait3A] : memref<2x10112x128xf32, #tpu.memory_space<hbm>> -> memref<1x632x128xf32, #tpu.memory_space<hbm>>
      %dma_wait3A_103 = tpu.memref_squeeze %dma_wait3A_102 : memref<1x632x128xf32, #tpu.memory_space<hbm>> -> memref<632x128xf32, #tpu.memory_space<hbm>>
      %dma_wait3A_104 = arith.constant 0 : i32
      %dma_wait3A_105 = tpu.memref_slice %arg15[%mul3A_95, %dma_wait3A_104] : memref<10112x128xf32, #tpu.memory_space<vmem_shared>> -> memref<632x128xf32, #tpu.memory_space<vmem_shared>>
      tpu.wait_dma2 semaphore(%run_scoped3A : memref<!tpu.dma_semaphore, #tpu.memory_space<semaphore_mem>>) src(%dma_wait3A_105 : memref<632x128xf32, #tpu.memory_space<vmem_shared>>) dst(%dma_wait3A_103 : memref<632x128xf32, #tpu.memory_space<hbm>>)
      tpu.yield
    }) : () -> ()
    return
  }
}

#map = affine_map<(d0, d1) -> (0)>
#map1 = affine_map<(d0, d1) -> (0, 0)>
#map2 = affine_map<(d0, d1) -> (0, 0, 0)>
module attributes {stable_mosaic.version = 14 : i64} {
  func.func @_sc(%arg0: i32, %arg1: i32, %arg2: memref<652288xi32, #tpu.memory_space<hbm>>, %arg3: memref<652288xi32, #tpu.memory_space<hbm>>, %arg4: memref<10112x128xf32, #tpu.memory_space<hbm>>, %arg5: memref<8x16xf32, #tpu.memory_space<hbm>>, %arg6: memref<10112x128xf32, #tpu.memory_space<hbm>>, %arg7: memref<2x10112x128xf32, #tpu.memory_space<hbm>>, %arg8: memref<112xi32, #tpu.memory_space<vmem>>, %arg9: memref<112xi32, #tpu.memory_space<vmem>>, %arg10: memref<112x128xf32, #tpu.memory_space<vmem>>, %arg11: memref<112x128xf32, #tpu.memory_space<vmem>>, %arg12: memref<32xf32, #tpu.memory_space<vmem>>, %arg13: memref<112x128xf32, #tpu.memory_space<vmem>>, %arg14: memref<8x16xf32, #tpu.memory_space<vmem>>, %arg15: memref<10112x128xf32, #tpu.memory_space<vmem_shared>>, %arg16: memref<!tpu.dma_semaphore, #tpu.memory_space<semaphore_mem>>, %arg17: memref<!tpu.dma_semaphore, #tpu.memory_space<semaphore_mem>>) attributes {dimension_semantics = [#tpu.dimension_semantics<core_parallel>, #tpu.dimension_semantics<subcore_parallel>], iteration_bounds = array<i64: 2, 16>, scalar_prefetch = 0 : i64, scratch_operands = 10 : i64, tpu.core_type = #tpu.core_type<sc_vector_subcore>, window_params = [{transform_indices = #map}, {transform_indices = #map}, {transform_indices = #map1}, {transform_indices = #map1}, {transform_indices = #map1}, {transform_indices = #map2}]} {
    %mul3A = arith.constant 2 : i32
    %mul3A_0 = arith.muli %arg1, %mul3A : i32
    %add3A = arith.addi %mul3A_0, %arg0 : i32
    %mul3A_1 = arith.constant 632 : i32
    %mul3A_2 = arith.muli %arg1, %mul3A_1 : i32
    %mul3A_3 = arith.constant 632 : i32
    %mul3A_4 = arith.muli %arg1, %mul3A_3 : i32
    "tpu.region"() ({
      %run_scoped3A = tpu.sem_alloc : memref<!tpu.dma_semaphore, #tpu.memory_space<semaphore_mem>>
      %dma_start3A = arith.constant 0 : i32
      %dma_start3A_200 = tpu.memref_slice %arg15[%mul3A_4, %dma_start3A] : memref<10112x128xf32, #tpu.memory_space<vmem_shared>> -> memref<632x128xf32, #tpu.memory_space<vmem_shared>>
      %dma_start3A_201 = arith.constant 0 : i32
      %dma_start3A_202 = tpu.memref_slice %arg6[%mul3A_2, %dma_start3A_201] : memref<10112x128xf32, #tpu.memory_space<hbm>> -> memref<632x128xf32, #tpu.memory_space<hbm>>
      tpu.enqueue_dma source(%dma_start3A_202 : memref<632x128xf32, #tpu.memory_space<hbm>>) target(%dma_start3A_200 : memref<632x128xf32, #tpu.memory_space<vmem_shared>>) target_semaphore(%run_scoped3A : memref<!tpu.dma_semaphore, #tpu.memory_space<semaphore_mem>>)
      %dma_wait3A = arith.constant 0 : i32
      %dma_wait3A_203 = tpu.memref_slice %arg15[%mul3A_4, %dma_wait3A] : memref<10112x128xf32, #tpu.memory_space<vmem_shared>> -> memref<632x128xf32, #tpu.memory_space<vmem_shared>>
      %dma_wait3A_204 = arith.constant 0 : i32
      %dma_wait3A_205 = tpu.memref_slice %arg6[%mul3A_2, %dma_wait3A_204] : memref<10112x128xf32, #tpu.memory_space<hbm>> -> memref<632x128xf32, #tpu.memory_space<hbm>>
      tpu.wait_dma2 semaphore(%run_scoped3A : memref<!tpu.dma_semaphore, #tpu.memory_space<semaphore_mem>>) src(%dma_wait3A_205 : memref<632x128xf32, #tpu.memory_space<hbm>>) dst(%dma_wait3A_203 : memref<632x128xf32, #tpu.memory_space<vmem_shared>>)
      tpu.yield
    }) : () -> ()
    "tpu.region"() ({
      %run_scoped3A = tpu.sem_alloc : memref<!tpu.dma_semaphore, #tpu.memory_space<semaphore_mem>>
      tpu.enqueue_dma source(%arg5 : memref<8x16xf32, #tpu.memory_space<hbm>>) target(%arg14 : memref<8x16xf32, #tpu.memory_space<vmem>>) target_semaphore(%run_scoped3A : memref<!tpu.dma_semaphore, #tpu.memory_space<semaphore_mem>>)
      tpu.wait_dma2 semaphore(%run_scoped3A : memref<!tpu.dma_semaphore, #tpu.memory_space<semaphore_mem>>) src(%arg5 : memref<8x16xf32, #tpu.memory_space<hbm>>) dst(%arg14 : memref<8x16xf32, #tpu.memory_space<vmem>>)
      tpu.yield
    }) : () -> ()
    %get3A = arith.constant 0 : i32
    %get3A_5 = arith.index_cast %get3A : i32 to index
    %get3A_6 = arith.constant 0 : index
    %get3A_7 = tpu.vector_load %arg14[%get3A_5, %get3A_6] {strides = array<i32>} : memref<8x16xf32, #tpu.memory_space<vmem>>, vector<16xf32>,
    %get3A_8 = arith.constant 1 : i32
    %get3A_9 = arith.index_cast %get3A_8 : i32 to index
    %get3A_10 = arith.constant 0 : index
    %get3A_11 = tpu.vector_load %arg14[%get3A_9, %get3A_10] {strides = array<i32>} : memref<8x16xf32, #tpu.memory_space<vmem>>, vector<16xf32>,
    %add3A_12 = arith.addf %get3A_7, %get3A_11 : vector<16xf32>
    %gt3A = arith.constant 0.000000e+00 : f32
    %gt3A_13 = vector.broadcast %gt3A : f32 to vector<16xf32>
    %gt3A_14 = arith.cmpf ogt, %add3A_12, %gt3A_13 : vector<16xf32>
    %mul3A_15 = arith.constant 2.000000e-01 : f32
    %mul3A_16 = vector.broadcast %mul3A_15 : f32 to vector<16xf32>
    %mul3A_17 = arith.mulf %mul3A_16, %add3A_12 : vector<16xf32>
    %select_n3A = arith.select %gt3A_14, %add3A_12, %mul3A_17 : vector<16xi1>, vector<16xf32>
    %iota3A = tpu.iota {dimensions = array<i32: 0>} : vector<16xi32>
    %add3A_18 = arith.constant 0 : i32
    %add3A_19 = vector.broadcast %add3A_18 : i32 to vector<16xi32>
    %add3A_20 = arith.addi %iota3A, %add3A_19 : vector<16xi32>
    %jit3A = arith.constant 10 : i32
    %div3A = vector.broadcast %jit3A : i32 to vector<16xi32>
    %div3A_21 = arith.divsi %add3A_20, %div3A : vector<16xi32>
    %sign3A = arith.constant 0 : i32
    %sign3A_22 = vector.broadcast %sign3A : i32 to vector<16xi32>
    %sign3A_23 = arith.cmpi sgt, %add3A_20, %sign3A_22 : vector<16xi32>
    %sign3A_24 = arith.extui %sign3A_23 : vector<16xi1> to vector<16xi32>
    %sign3A_25 = arith.constant 0 : i32
    %sign3A_26 = vector.broadcast %sign3A_25 : i32 to vector<16xi32>
    %sign3A_27 = arith.cmpi slt, %add3A_20, %sign3A_26 : vector<16xi32>
    %sign3A_28 = arith.extui %sign3A_27 : vector<16xi1> to vector<16xi32>
    %sign3A_29 = arith.subi %sign3A_24, %sign3A_28 : vector<16xi32>
    %sign3A_30 = arith.constant 0 : i32
    %sign3A_31 = arith.cmpi sgt, %jit3A, %sign3A_30 : i32
    %sign3A_32 = arith.extui %sign3A_31 : i1 to i32
    %sign3A_33 = arith.constant 0 : i32
    %sign3A_34 = arith.cmpi slt, %jit3A, %sign3A_33 : i32
    %sign3A_35 = arith.extui %sign3A_34 : i1 to i32
    %sign3A_36 = arith.subi %sign3A_32, %sign3A_35 : i32
    %ne3A = vector.broadcast %sign3A_36 : i32 to vector<16xi32>
    %ne3A_37 = arith.cmpi ne, %sign3A_29, %ne3A : vector<16xi32>
    %rem3A = vector.broadcast %jit3A : i32 to vector<16xi32>
    %rem3A_38 = arith.remsi %add3A_20, %rem3A : vector<16xi32>
    %ne3A_39 = arith.constant 0 : i32
    %ne3A_40 = vector.broadcast %ne3A_39 : i32 to vector<16xi32>
    %ne3A_41 = arith.cmpi ne, %rem3A_38, %ne3A_40 : vector<16xi32>
    %and3A = arith.andi %ne3A_37, %ne3A_41 : vector<16xi1>
    %sub3A = arith.constant 1 : i32
    %sub3A_42 = vector.broadcast %sub3A : i32 to vector<16xi32>
    %sub3A_43 = arith.subi %div3A_21, %sub3A_42 : vector<16xi32>
    %select_n3A_44 = arith.select %and3A, %sub3A_43, %div3A_21 : vector<16xi1>, vector<16xi32>
    %add3A_45 = arith.constant 16 : i32
    %add3A_46 = vector.broadcast %add3A_45 : i32 to vector<16xi32>
    %add3A_47 = arith.addi %iota3A, %add3A_46 : vector<16xi32>
    %jit3A_48 = arith.constant 10 : i32
    %div3A_49 = vector.broadcast %jit3A_48 : i32 to vector<16xi32>
    %div3A_50 = arith.divsi %add3A_47, %div3A_49 : vector<16xi32>
    %sign3A_51 = arith.constant 0 : i32
    %sign3A_52 = vector.broadcast %sign3A_51 : i32 to vector<16xi32>
    %sign3A_53 = arith.cmpi sgt, %add3A_47, %sign3A_52 : vector<16xi32>
    %sign3A_54 = arith.extui %sign3A_53 : vector<16xi1> to vector<16xi32>
    %sign3A_55 = arith.constant 0 : i32
    %sign3A_56 = vector.broadcast %sign3A_55 : i32 to vector<16xi32>
    %sign3A_57 = arith.cmpi slt, %add3A_47, %sign3A_56 : vector<16xi32>
    %sign3A_58 = arith.extui %sign3A_57 : vector<16xi1> to vector<16xi32>
    %sign3A_59 = arith.subi %sign3A_54, %sign3A_58 : vector<16xi32>
    %sign3A_60 = arith.constant 0 : i32
    %sign3A_61 = arith.cmpi sgt, %jit3A_48, %sign3A_60 : i32
    %sign3A_62 = arith.extui %sign3A_61 : i1 to i32
    %sign3A_63 = arith.constant 0 : i32
    %sign3A_64 = arith.cmpi slt, %jit3A_48, %sign3A_63 : i32
    %sign3A_65 = arith.extui %sign3A_64 : i1 to i32
    %sign3A_66 = arith.subi %sign3A_62, %sign3A_65 : i32
    %ne3A_67 = vector.broadcast %sign3A_66 : i32 to vector<16xi32>
    %ne3A_68 = arith.cmpi ne, %sign3A_59, %ne3A_67 : vector<16xi32>
    %rem3A_69 = vector.broadcast %jit3A_48 : i32 to vector<16xi32>
    %rem3A_70 = arith.remsi %add3A_47, %rem3A_69 : vector<16xi32>
    %ne3A_71 = arith.constant 0 : i32
    %ne3A_72 = vector.broadcast %ne3A_71 : i32 to vector<16xi32>
    %ne3A_73 = arith.cmpi ne, %rem3A_70, %ne3A_72 : vector<16xi32>
    %and3A_74 = arith.andi %ne3A_68, %ne3A_73 : vector<16xi1>
    %sub3A_75 = arith.constant 1 : i32
    %sub3A_76 = vector.broadcast %sub3A_75 : i32 to vector<16xi32>
    %sub3A_77 = arith.subi %div3A_50, %sub3A_76 : vector<16xi32>
    %select_n3A_78 = arith.select %and3A_74, %sub3A_77, %div3A_50 : vector<16xi1>, vector<16xi32>
    %add3A_79 = arith.constant 32 : i32
    %add3A_80 = vector.broadcast %add3A_79 : i32 to vector<16xi32>
    %add3A_81 = arith.addi %iota3A, %add3A_80 : vector<16xi32>
    %jit3A_82 = arith.constant 10 : i32
    %div3A_83 = vector.broadcast %jit3A_82 : i32 to vector<16xi32>
    %div3A_84 = arith.divsi %add3A_81, %div3A_83 : vector<16xi32>
    %sign3A_85 = arith.constant 0 : i32
    %sign3A_86 = vector.broadcast %sign3A_85 : i32 to vector<16xi32>
    %sign3A_87 = arith.cmpi sgt, %add3A_81, %sign3A_86 : vector<16xi32>
    %sign3A_88 = arith.extui %sign3A_87 : vector<16xi1> to vector<16xi32>
    %sign3A_89 = arith.constant 0 : i32
    %sign3A_90 = vector.broadcast %sign3A_89 : i32 to vector<16xi32>
    %sign3A_91 = arith.cmpi slt, %add3A_81, %sign3A_90 : vector<16xi32>
    %sign3A_92 = arith.extui %sign3A_91 : vector<16xi1> to vector<16xi32>
    %sign3A_93 = arith.subi %sign3A_88, %sign3A_92 : vector<16xi32>
    %sign3A_94 = arith.constant 0 : i32
    %sign3A_95 = arith.cmpi sgt, %jit3A_82, %sign3A_94 : i32
    %sign3A_96 = arith.extui %sign3A_95 : i1 to i32
    %sign3A_97 = arith.constant 0 : i32
    %sign3A_98 = arith.cmpi slt, %jit3A_82, %sign3A_97 : i32
    %sign3A_99 = arith.extui %sign3A_98 : i1 to i32
    %sign3A_100 = arith.subi %sign3A_96, %sign3A_99 : i32
    %ne3A_101 = vector.broadcast %sign3A_100 : i32 to vector<16xi32>
    %ne3A_102 = arith.cmpi ne, %sign3A_93, %ne3A_101 : vector<16xi32>
    %rem3A_103 = vector.broadcast %jit3A_82 : i32 to vector<16xi32>
    %rem3A_104 = arith.remsi %add3A_81, %rem3A_103 : vector<16xi32>
    %ne3A_105 = arith.constant 0 : i32
    %ne3A_106 = vector.broadcast %ne3A_105 : i32 to vector<16xi32>
    %ne3A_107 = arith.cmpi ne, %rem3A_104, %ne3A_106 : vector<16xi32>
    %and3A_108 = arith.andi %ne3A_102, %ne3A_107 : vector<16xi1>
    %sub3A_109 = arith.constant 1 : i32
    %sub3A_110 = vector.broadcast %sub3A_109 : i32 to vector<16xi32>
    %sub3A_111 = arith.subi %div3A_84, %sub3A_110 : vector<16xi32>
    %select_n3A_112 = arith.select %and3A_108, %sub3A_111, %div3A_84 : vector<16xi1>, vector<16xi32>
    %add3A_113 = arith.constant 48 : i32
    %add3A_114 = vector.broadcast %add3A_113 : i32 to vector<16xi32>
    %add3A_115 = arith.addi %iota3A, %add3A_114 : vector<16xi32>
    %jit3A_116 = arith.constant 10 : i32
    %div3A_117 = vector.broadcast %jit3A_116 : i32 to vector<16xi32>
    %div3A_118 = arith.divsi %add3A_115, %div3A_117 : vector<16xi32>
    %sign3A_119 = arith.constant 0 : i32
    %sign3A_120 = vector.broadcast %sign3A_119 : i32 to vector<16xi32>
    %sign3A_121 = arith.cmpi sgt, %add3A_115, %sign3A_120 : vector<16xi32>
    %sign3A_122 = arith.extui %sign3A_121 : vector<16xi1> to vector<16xi32>
    %sign3A_123 = arith.constant 0 : i32
    %sign3A_124 = vector.broadcast %sign3A_123 : i32 to vector<16xi32>
    %sign3A_125 = arith.cmpi slt, %add3A_115, %sign3A_124 : vector<16xi32>
    %sign3A_126 = arith.extui %sign3A_125 : vector<16xi1> to vector<16xi32>
    %sign3A_127 = arith.subi %sign3A_122, %sign3A_126 : vector<16xi32>
    %sign3A_128 = arith.constant 0 : i32
    %sign3A_129 = arith.cmpi sgt, %jit3A_116, %sign3A_128 : i32
    %sign3A_130 = arith.extui %sign3A_129 : i1 to i32
    %sign3A_131 = arith.constant 0 : i32
    %sign3A_132 = arith.cmpi slt, %jit3A_116, %sign3A_131 : i32
    %sign3A_133 = arith.extui %sign3A_132 : i1 to i32
    %sign3A_134 = arith.subi %sign3A_130, %sign3A_133 : i32
    %ne3A_135 = vector.broadcast %sign3A_134 : i32 to vector<16xi32>
    %ne3A_136 = arith.cmpi ne, %sign3A_127, %ne3A_135 : vector<16xi32>
    %rem3A_137 = vector.broadcast %jit3A_116 : i32 to vector<16xi32>
    %rem3A_138 = arith.remsi %add3A_115, %rem3A_137 : vector<16xi32>
    %ne3A_139 = arith.constant 0 : i32
    %ne3A_140 = vector.broadcast %ne3A_139 : i32 to vector<16xi32>
    %ne3A_141 = arith.cmpi ne, %rem3A_138, %ne3A_140 : vector<16xi32>
    %and3A_142 = arith.andi %ne3A_136, %ne3A_141 : vector<16xi1>
    %sub3A_143 = arith.constant 1 : i32
    %sub3A_144 = vector.broadcast %sub3A_143 : i32 to vector<16xi32>
    %sub3A_145 = arith.subi %div3A_118, %sub3A_144 : vector<16xi32>
    %select_n3A_146 = arith.select %and3A_142, %sub3A_145, %div3A_118 : vector<16xi1>, vector<16xi32>
    %add3A_147 = arith.constant 64 : i32
    %add3A_148 = vector.broadcast %add3A_147 : i32 to vector<16xi32>
    %add3A_149 = arith.addi %iota3A, %add3A_148 : vector<16xi32>
    %jit3A_150 = arith.constant 10 : i32
    %div3A_151 = vector.broadcast %jit3A_150 : i32 to vector<16xi32>
    %div3A_152 = arith.divsi %add3A_149, %div3A_151 : vector<16xi32>
    %sign3A_153 = arith.constant 0 : i32
    %sign3A_154 = vector.broadcast %sign3A_153 : i32 to vector<16xi32>
    %sign3A_155 = arith.cmpi sgt, %add3A_149, %sign3A_154 : vector<16xi32>
    %sign3A_156 = arith.extui %sign3A_155 : vector<16xi1> to vector<16xi32>
    %sign3A_157 = arith.constant 0 : i32
    %sign3A_158 = vector.broadcast %sign3A_157 : i32 to vector<16xi32>
    %sign3A_159 = arith.cmpi slt, %add3A_149, %sign3A_158 : vector<16xi32>
    %sign3A_160 = arith.extui %sign3A_159 : vector<16xi1> to vector<16xi32>
    %sign3A_161 = arith.subi %sign3A_156, %sign3A_160 : vector<16xi32>
    %sign3A_162 = arith.constant 0 : i32
    %sign3A_163 = arith.cmpi sgt, %jit3A_150, %sign3A_162 : i32
    %sign3A_164 = arith.extui %sign3A_163 : i1 to i32
    %sign3A_165 = arith.constant 0 : i32
    %sign3A_166 = arith.cmpi slt, %jit3A_150, %sign3A_165 : i32
    %sign3A_167 = arith.extui %sign3A_166 : i1 to i32
    %sign3A_168 = arith.subi %sign3A_164, %sign3A_167 : i32
    %ne3A_169 = vector.broadcast %sign3A_168 : i32 to vector<16xi32>
    %ne3A_170 = arith.cmpi ne, %sign3A_161, %ne3A_169 : vector<16xi32>
    %rem3A_171 = vector.broadcast %jit3A_150 : i32 to vector<16xi32>
    %rem3A_172 = arith.remsi %add3A_149, %rem3A_171 : vector<16xi32>
    %ne3A_173 = arith.constant 0 : i32
    %ne3A_174 = vector.broadcast %ne3A_173 : i32 to vector<16xi32>
    %ne3A_175 = arith.cmpi ne, %rem3A_172, %ne3A_174 : vector<16xi32>
    %and3A_176 = arith.andi %ne3A_170, %ne3A_175 : vector<16xi1>
    %sub3A_177 = arith.constant 1 : i32
    %sub3A_178 = vector.broadcast %sub3A_177 : i32 to vector<16xi32>
    %sub3A_179 = arith.subi %div3A_152, %sub3A_178 : vector<16xi32>
    %select_n3A_180 = arith.select %and3A_176, %sub3A_179, %div3A_152 : vector<16xi1>, vector<16xi32>
    %broadcast_in_dim3A = arith.constant 0.000000e+00 : f32
    %broadcast_in_dim3A_181 = vector.broadcast %broadcast_in_dim3A : f32 to vector<16xf32>
    %scan3A = arith.constant 0 : i32
    %scan3A_182 = arith.constant 0 : i32
    %scan3A_183 = arith.constant 112 : i32
    %scan3A_184 = arith.addi %scan3A_182, %scan3A_183 : i32
    %scan3A_185 = arith.constant 1 : i32
    scf.for %scan3A_200 = %scan3A_182 to %scan3A_184 step %scan3A_185  : i32 {
      %swap3A = arith.index_cast %scan3A_200 : i32 to index
      %swap3A_201 = arith.constant 80 : index
      %swap3A_202 = tpu.vector_load %arg13[%swap3A, %swap3A_201] {strides = array<i32>} : memref<112x128xf32, #tpu.memory_space<vmem>>, vector<16xf32>,
      tpu.vector_store %arg13[%swap3A, %swap3A_201], %broadcast_in_dim3A_181 {strides = array<i32>} : memref<112x128xf32, #tpu.memory_space<vmem>>, vector<16xf32>,
      %swap3A_203 = arith.index_cast %scan3A_200 : i32 to index
      %swap3A_204 = arith.constant 96 : index
      %swap3A_205 = tpu.vector_load %arg13[%swap3A_203, %swap3A_204] {strides = array<i32>} : memref<112x128xf32, #tpu.memory_space<vmem>>, vector<16xf32>,
      tpu.vector_store %arg13[%swap3A_203, %swap3A_204], %broadcast_in_dim3A_181 {strides = array<i32>} : memref<112x128xf32, #tpu.memory_space<vmem>>, vector<16xf32>,
      %swap3A_206 = arith.index_cast %scan3A_200 : i32 to index
      %swap3A_207 = arith.constant 112 : index
      %swap3A_208 = tpu.vector_load %arg13[%swap3A_206, %swap3A_207] {strides = array<i32>} : memref<112x128xf32, #tpu.memory_space<vmem>>, vector<16xf32>,
      tpu.vector_store %arg13[%swap3A_206, %swap3A_207], %broadcast_in_dim3A_181 {strides = array<i32>} : memref<112x128xf32, #tpu.memory_space<vmem>>, vector<16xf32>,
    }
    %scan3A_186 = arith.constant 112 : i32
    %barrier3A = arith.constant 0 : index
    tpu.barrier barrier_id(%barrier3A)
    %mul3A_187 = arith.constant 20384 : i32
    %mul3A_188 = arith.muli %add3A, %mul3A_187 : i32
    %scan3A_189 = arith.constant 0 : i32
    %scan3A_190 = arith.constant 0 : i32
    %scan3A_191 = arith.constant 182 : i32
    %scan3A_192 = arith.addi %scan3A_190, %scan3A_191 : i32
    %scan3A_193 = arith.constant 1 : i32
    scf.for %scan3A_200 = %scan3A_190 to %scan3A_192 step %scan3A_193  : i32 {
      %mul3A_201 = arith.constant 112 : i32
      %mul3A_202 = arith.muli %scan3A_200, %mul3A_201 : i32
      %add3A_203 = arith.addi %mul3A_188, %mul3A_202 : i32
      "tpu.region"() ({
        %run_scoped3A = tpu.sem_alloc : memref<!tpu.dma_semaphore, #tpu.memory_space<semaphore_mem>>
        %dma_start3A_220 = tpu.memref_slice %arg2[%add3A_203] : memref<652288xi32, #tpu.memory_space<hbm>> -> memref<112xi32, #tpu.memory_space<hbm>>
        %dma_start3A_221 = tpu.memref_slice %arg2[%add3A_203] : memref<652288xi32, #tpu.memory_space<hbm>> -> memref<112xi32, #tpu.memory_space<hbm>>
        tpu.enqueue_dma source(%dma_start3A_221 : memref<112xi32, #tpu.memory_space<hbm>>) target(%arg8 : memref<112xi32, #tpu.memory_space<vmem>>) target_semaphore(%run_scoped3A : memref<!tpu.dma_semaphore, #tpu.memory_space<semaphore_mem>>)
        %dma_wait3A_222 = tpu.memref_slice %arg2[%add3A_203] : memref<652288xi32, #tpu.memory_space<hbm>> -> memref<112xi32, #tpu.memory_space<hbm>>
        %dma_wait3A_223 = tpu.memref_slice %arg2[%add3A_203] : memref<652288xi32, #tpu.memory_space<hbm>> -> memref<112xi32, #tpu.memory_space<hbm>>
        tpu.wait_dma2 semaphore(%run_scoped3A : memref<!tpu.dma_semaphore, #tpu.memory_space<semaphore_mem>>) src(%dma_wait3A_223 : memref<112xi32, #tpu.memory_space<hbm>>) dst(%arg8 : memref<112xi32, #tpu.memory_space<vmem>>)
        tpu.yield
      }) : () -> ()
      "tpu.region"() ({
        %run_scoped3A = tpu.sem_alloc : memref<!tpu.dma_semaphore, #tpu.memory_space<semaphore_mem>>
        %dma_start3A_220 = tpu.memref_slice %arg3[%add3A_203] : memref<652288xi32, #tpu.memory_space<hbm>> -> memref<112xi32, #tpu.memory_space<hbm>>
        %dma_start3A_221 = tpu.memref_slice %arg3[%add3A_203] : memref<652288xi32, #tpu.memory_space<hbm>> -> memref<112xi32, #tpu.memory_space<hbm>>
        tpu.enqueue_dma source(%dma_start3A_221 : memref<112xi32, #tpu.memory_space<hbm>>) target(%arg9 : memref<112xi32, #tpu.memory_space<vmem>>) target_semaphore(%run_scoped3A : memref<!tpu.dma_semaphore, #tpu.memory_space<semaphore_mem>>)
        %dma_wait3A_222 = tpu.memref_slice %arg3[%add3A_203] : memref<652288xi32, #tpu.memory_space<hbm>> -> memref<112xi32, #tpu.memory_space<hbm>>
        %dma_wait3A_223 = tpu.memref_slice %arg3[%add3A_203] : memref<652288xi32, #tpu.memory_space<hbm>> -> memref<112xi32, #tpu.memory_space<hbm>>
        tpu.wait_dma2 semaphore(%run_scoped3A : memref<!tpu.dma_semaphore, #tpu.memory_space<semaphore_mem>>) src(%dma_wait3A_223 : memref<112xi32, #tpu.memory_space<hbm>>) dst(%arg9 : memref<112xi32, #tpu.memory_space<vmem>>)
        tpu.yield
      }) : () -> ()
      %dma_start3A = arith.constant 0 : i32
      %dma_start3A_204 = arith.constant 0 : i32
      %dma_start3A_205 = tpu.memref_slice %arg4[%dma_start3A, %dma_start3A_204] : memref<10112x128xf32, #tpu.memory_space<hbm>> -> memref<10112x128xf32, #tpu.memory_space<hbm>>
      tpu.enqueue_indirect_dma source(%dma_start3A_205 : memref<10112x128xf32, #tpu.memory_space<hbm>>) target(%arg10 : memref<112x128xf32, #tpu.memory_space<vmem>>) offsets(%arg8 : memref<112xi32, #tpu.memory_space<vmem>>) semaphore(%arg16 : memref<!tpu.dma_semaphore, #tpu.memory_space<semaphore_mem>>)
      %dma_start3A_206 = arith.constant 0 : i32
      %dma_start3A_207 = arith.constant 0 : i32
      %dma_start3A_208 = tpu.memref_slice %arg4[%dma_start3A_206, %dma_start3A_207] : memref<10112x128xf32, #tpu.memory_space<hbm>> -> memref<10112x128xf32, #tpu.memory_space<hbm>>
      tpu.enqueue_indirect_dma source(%dma_start3A_208 : memref<10112x128xf32, #tpu.memory_space<hbm>>) target(%arg11 : memref<112x128xf32, #tpu.memory_space<vmem>>) offsets(%arg9 : memref<112xi32, #tpu.memory_space<vmem>>) semaphore(%arg17 : memref<!tpu.dma_semaphore, #tpu.memory_space<semaphore_mem>>)
      %dma_wait3A = arith.constant 0 : i32
      %dma_wait3A_209 = arith.constant 0 : i32
      %dma_wait3A_210 = tpu.memref_slice %arg4[%dma_wait3A, %dma_wait3A_209] : memref<10112x128xf32, #tpu.memory_space<hbm>> -> memref<10112x128xf32, #tpu.memory_space<hbm>>
      tpu.wait_indirect_dma semaphore(%arg16 : memref<!tpu.dma_semaphore, #tpu.memory_space<semaphore_mem>>) src(%dma_wait3A_210 : memref<10112x128xf32, #tpu.memory_space<hbm>>) dst(%arg10 : memref<112x128xf32, #tpu.memory_space<vmem>>)
      %dma_wait3A_211 = arith.constant 0 : i32
      %dma_wait3A_212 = arith.constant 0 : i32
      %dma_wait3A_213 = tpu.memref_slice %arg4[%dma_wait3A_211, %dma_wait3A_212] : memref<10112x128xf32, #tpu.memory_space<hbm>> -> memref<10112x128xf32, #tpu.memory_space<hbm>>
      tpu.wait_indirect_dma semaphore(%arg17 : memref<!tpu.dma_semaphore, #tpu.memory_space<semaphore_mem>>) src(%dma_wait3A_213 : memref<10112x128xf32, #tpu.memory_space<hbm>>) dst(%arg11 : memref<112x128xf32, #tpu.memory_space<vmem>>)
      %scan3A_214 = arith.constant 0 : i32
      %scan3A_215 = arith.constant 0 : i32
      %scan3A_216 = arith.constant 56 : i32
      %scan3A_217 = arith.addi %scan3A_215, %scan3A_216 : i32
      %scan3A_218 = arith.constant 1 : i32
      scf.for %scan3A_220 = %scan3A_215 to %scan3A_217 step %scan3A_218  : i32 {
        %mul3A_221 = arith.constant 2 : i32
        %mul3A_222 = arith.muli %scan3A_220, %mul3A_221 : i32
        %add3A_223 = arith.constant 0 : i32
        %add3A_224 = arith.addi %mul3A_222, %add3A_223 : i32
        %get3A_225 = arith.index_cast %add3A_224 : i32 to index
        %get3A_226 = arith.constant 80 : index
        %get3A_227 = tpu.vector_load %arg10[%get3A_225, %get3A_226] {strides = array<i32>} : memref<112x128xf32, #tpu.memory_space<vmem>>, vector<16xf32>,
        %get3A_228 = arith.index_cast %add3A_224 : i32 to index
        %get3A_229 = arith.constant 96 : index
        %get3A_230 = tpu.vector_load %arg11[%get3A_228, %get3A_229] {strides = array<i32>} : memref<112x128xf32, #tpu.memory_space<vmem>>, vector<16xf32>,
        %add3A_231 = arith.addf %get3A_227, %get3A_230 : vector<16xf32>
        %gt3A_232 = arith.constant 0.000000e+00 : f32
        %gt3A_233 = vector.broadcast %gt3A_232 : f32 to vector<16xf32>
        %gt3A_234 = arith.cmpf ogt, %add3A_231, %gt3A_233 : vector<16xf32>
        %mul3A_235 = arith.constant 2.000000e-01 : f32
        %mul3A_236 = vector.broadcast %mul3A_235 : f32 to vector<16xf32>
        %mul3A_237 = arith.mulf %mul3A_236, %add3A_231 : vector<16xf32>
        %select_n3A_238 = arith.select %gt3A_234, %add3A_231, %mul3A_237 : vector<16xi1>, vector<16xf32>
        %sub3A_239 = arith.subf %select_n3A_238, %select_n3A : vector<16xf32>
        %exp3A = math.exp %sub3A_239 : vector<16xf32>
        %swap3A = arith.constant 0 : index
        %swap3A_240 = tpu.vector_load %arg12[%swap3A] {strides = array<i32>} : memref<32xf32, #tpu.memory_space<vmem>>, vector<16xf32>,
        tpu.vector_store %arg12[%swap3A], %exp3A {strides = array<i32>} : memref<32xf32, #tpu.memory_space<vmem>>, vector<16xf32>,
        %get3A_241 = arith.index_cast %add3A_224 : i32 to index
        %get3A_242 = arith.constant 0 : index
        %get3A_243 = tpu.vector_load %arg10[%get3A_241, %get3A_242] {strides = array<i32>} : memref<112x128xf32, #tpu.memory_space<vmem>>, vector<16xf32>,
        %add3A_244 = arith.constant 0 : i32
        %add3A_245 = vector.broadcast %add3A_244 : i32 to vector<16xi32>
        %add3A_246 = arith.addi %add3A_245, %select_n3A_44 : vector<16xi32>
        %gather3A = tpu.vector_load_idx %arg12[%add3A_246] : memref<32xf32, #tpu.memory_space<vmem>>[vector<16xi32>], vector<16xf32>,
        %mul3A_247 = arith.mulf %gather3A, %get3A_243 : vector<16xf32>
        %swap3A_248 = arith.index_cast %add3A_224 : i32 to index
        %swap3A_249 = arith.constant 0 : index
        %swap3A_250 = tpu.vector_load %arg13[%swap3A_248, %swap3A_249] {strides = array<i32>} : memref<112x128xf32, #tpu.memory_space<vmem>>, vector<16xf32>,
        tpu.vector_store %arg13[%swap3A_248, %swap3A_249], %mul3A_247 {strides = array<i32>} : memref<112x128xf32, #tpu.memory_space<vmem>>, vector<16xf32>,
        %get3A_251 = arith.index_cast %add3A_224 : i32 to index
        %get3A_252 = arith.constant 16 : index
        %get3A_253 = tpu.vector_load %arg10[%get3A_251, %get3A_252] {strides = array<i32>} : memref<112x128xf32, #tpu.memory_space<vmem>>, vector<16xf32>,
        %add3A_254 = arith.constant 0 : i32
        %add3A_255 = vector.broadcast %add3A_254 : i32 to vector<16xi32>
        %add3A_256 = arith.addi %add3A_255, %select_n3A_78 : vector<16xi32>
        %gather3A_257 = tpu.vector_load_idx %arg12[%add3A_256] : memref<32xf32, #tpu.memory_space<vmem>>[vector<16xi32>], vector<16xf32>,
        %mul3A_258 = arith.mulf %gather3A_257, %get3A_253 : vector<16xf32>
        %swap3A_259 = arith.index_cast %add3A_224 : i32 to index
        %swap3A_260 = arith.constant 16 : index
        %swap3A_261 = tpu.vector_load %arg13[%swap3A_259, %swap3A_260] {strides = array<i32>} : memref<112x128xf32, #tpu.memory_space<vmem>>, vector<16xf32>,
        tpu.vector_store %arg13[%swap3A_259, %swap3A_260], %mul3A_258 {strides = array<i32>} : memref<112x128xf32, #tpu.memory_space<vmem>>, vector<16xf32>,
        %get3A_262 = arith.index_cast %add3A_224 : i32 to index
        %get3A_263 = arith.constant 32 : index
        %get3A_264 = tpu.vector_load %arg10[%get3A_262, %get3A_263] {strides = array<i32>} : memref<112x128xf32, #tpu.memory_space<vmem>>, vector<16xf32>,
        %add3A_265 = arith.constant 0 : i32
        %add3A_266 = vector.broadcast %add3A_265 : i32 to vector<16xi32>
        %add3A_267 = arith.addi %add3A_266, %select_n3A_112 : vector<16xi32>
        %gather3A_268 = tpu.vector_load_idx %arg12[%add3A_267] : memref<32xf32, #tpu.memory_space<vmem>>[vector<16xi32>], vector<16xf32>,
        %mul3A_269 = arith.mulf %gather3A_268, %get3A_264 : vector<16xf32>
        %swap3A_270 = arith.index_cast %add3A_224 : i32 to index
        %swap3A_271 = arith.constant 32 : index
        %swap3A_272 = tpu.vector_load %arg13[%swap3A_270, %swap3A_271] {strides = array<i32>} : memref<112x128xf32, #tpu.memory_space<vmem>>, vector<16xf32>,
        tpu.vector_store %arg13[%swap3A_270, %swap3A_271], %mul3A_269 {strides = array<i32>} : memref<112x128xf32, #tpu.memory_space<vmem>>, vector<16xf32>,
        %get3A_273 = arith.index_cast %add3A_224 : i32 to index
        %get3A_274 = arith.constant 48 : index
        %get3A_275 = tpu.vector_load %arg10[%get3A_273, %get3A_274] {strides = array<i32>} : memref<112x128xf32, #tpu.memory_space<vmem>>, vector<16xf32>,
        %add3A_276 = arith.constant 0 : i32
        %add3A_277 = vector.broadcast %add3A_276 : i32 to vector<16xi32>
        %add3A_278 = arith.addi %add3A_277, %select_n3A_146 : vector<16xi32>
        %gather3A_279 = tpu.vector_load_idx %arg12[%add3A_278] : memref<32xf32, #tpu.memory_space<vmem>>[vector<16xi32>], vector<16xf32>,
        %mul3A_280 = arith.mulf %gather3A_279, %get3A_275 : vector<16xf32>
        %swap3A_281 = arith.index_cast %add3A_224 : i32 to index
        %swap3A_282 = arith.constant 48 : index
        %swap3A_283 = tpu.vector_load %arg13[%swap3A_281, %swap3A_282] {strides = array<i32>} : memref<112x128xf32, #tpu.memory_space<vmem>>, vector<16xf32>,
        tpu.vector_store %arg13[%swap3A_281, %swap3A_282], %mul3A_280 {strides = array<i32>} : memref<112x128xf32, #tpu.memory_space<vmem>>, vector<16xf32>,
        %get3A_284 = arith.index_cast %add3A_224 : i32 to index
        %get3A_285 = arith.constant 64 : index
        %get3A_286 = tpu.vector_load %arg10[%get3A_284, %get3A_285] {strides = array<i32>} : memref<112x128xf32, #tpu.memory_space<vmem>>, vector<16xf32>,
        %add3A_287 = arith.constant 0 : i32
        %add3A_288 = vector.broadcast %add3A_287 : i32 to vector<16xi32>
        %add3A_289 = arith.addi %add3A_288, %select_n3A_180 : vector<16xi32>
        %gather3A_290 = tpu.vector_load_idx %arg12[%add3A_289] : memref<32xf32, #tpu.memory_space<vmem>>[vector<16xi32>], vector<16xf32>,
        %mul3A_291 = arith.mulf %gather3A_290, %get3A_286 : vector<16xf32>
        %swap3A_292 = arith.index_cast %add3A_224 : i32 to index
        %swap3A_293 = arith.constant 64 : index
        %swap3A_294 = tpu.vector_load %arg13[%swap3A_292, %swap3A_293] {strides = array<i32>} : memref<112x128xf32, #tpu.memory_space<vmem>>, vector<16xf32>,
        tpu.vector_store %arg13[%swap3A_292, %swap3A_293], %mul3A_291 {strides = array<i32>} : memref<112x128xf32, #tpu.memory_space<vmem>>, vector<16xf32>,
        %mul3A_295 = arith.constant 2 : i32
        %mul3A_296 = arith.muli %scan3A_220, %mul3A_295 : i32
        %add3A_297 = arith.constant 1 : i32
        %add3A_298 = arith.addi %mul3A_296, %add3A_297 : i32
        %get3A_299 = arith.index_cast %add3A_298 : i32 to index
        %get3A_300 = arith.constant 80 : index
        %get3A_301 = tpu.vector_load %arg10[%get3A_299, %get3A_300] {strides = array<i32>} : memref<112x128xf32, #tpu.memory_space<vmem>>, vector<16xf32>,
        %get3A_302 = arith.index_cast %add3A_298 : i32 to index
        %get3A_303 = arith.constant 96 : index
        %get3A_304 = tpu.vector_load %arg11[%get3A_302, %get3A_303] {strides = array<i32>} : memref<112x128xf32, #tpu.memory_space<vmem>>, vector<16xf32>,
        %add3A_305 = arith.addf %get3A_301, %get3A_304 : vector<16xf32>
        %gt3A_306 = arith.constant 0.000000e+00 : f32
        %gt3A_307 = vector.broadcast %gt3A_306 : f32 to vector<16xf32>
        %gt3A_308 = arith.cmpf ogt, %add3A_305, %gt3A_307 : vector<16xf32>
        %mul3A_309 = arith.constant 2.000000e-01 : f32
        %mul3A_310 = vector.broadcast %mul3A_309 : f32 to vector<16xf32>
        %mul3A_311 = arith.mulf %mul3A_310, %add3A_305 : vector<16xf32>
        %select_n3A_312 = arith.select %gt3A_308, %add3A_305, %mul3A_311 : vector<16xi1>, vector<16xf32>
        %sub3A_313 = arith.subf %select_n3A_312, %select_n3A : vector<16xf32>
        %exp3A_314 = math.exp %sub3A_313 : vector<16xf32>
        %swap3A_315 = arith.constant 16 : index
        %swap3A_316 = tpu.vector_load %arg12[%swap3A_315] {strides = array<i32>} : memref<32xf32, #tpu.memory_space<vmem>>, vector<16xf32>,
        tpu.vector_store %arg12[%swap3A_315], %exp3A_314 {strides = array<i32>} : memref<32xf32, #tpu.memory_space<vmem>>, vector<16xf32>,
        %get3A_317 = arith.index_cast %add3A_298 : i32 to index
        %get3A_318 = arith.constant 0 : index
        %get3A_319 = tpu.vector_load %arg10[%get3A_317, %get3A_318] {strides = array<i32>} : memref<112x128xf32, #tpu.memory_space<vmem>>, vector<16xf32>,
        %add3A_320 = arith.constant 16 : i32
        %add3A_321 = vector.broadcast %add3A_320 : i32 to vector<16xi32>
        %add3A_322 = arith.addi %add3A_321, %select_n3A_44 : vector<16xi32>
        %gather3A_323 = tpu.vector_load_idx %arg12[%add3A_322] : memref<32xf32, #tpu.memory_space<vmem>>[vector<16xi32>], vector<16xf32>,
        %mul3A_324 = arith.mulf %gather3A_323, %get3A_319 : vector<16xf32>
        %swap3A_325 = arith.index_cast %add3A_298 : i32 to index
        %swap3A_326 = arith.constant 0 : index
        %swap3A_327 = tpu.vector_load %arg13[%swap3A_325, %swap3A_326] {strides = array<i32>} : memref<112x128xf32, #tpu.memory_space<vmem>>, vector<16xf32>,
        tpu.vector_store %arg13[%swap3A_325, %swap3A_326], %mul3A_324 {strides = array<i32>} : memref<112x128xf32, #tpu.memory_space<vmem>>, vector<16xf32>,
        %get3A_328 = arith.index_cast %add3A_298 : i32 to index
        %get3A_329 = arith.constant 16 : index
        %get3A_330 = tpu.vector_load %arg10[%get3A_328, %get3A_329] {strides = array<i32>} : memref<112x128xf32, #tpu.memory_space<vmem>>, vector<16xf32>,
        %add3A_331 = arith.constant 16 : i32
        %add3A_332 = vector.broadcast %add3A_331 : i32 to vector<16xi32>
        %add3A_333 = arith.addi %add3A_332, %select_n3A_78 : vector<16xi32>
        %gather3A_334 = tpu.vector_load_idx %arg12[%add3A_333] : memref<32xf32, #tpu.memory_space<vmem>>[vector<16xi32>], vector<16xf32>,
        %mul3A_335 = arith.mulf %gather3A_334, %get3A_330 : vector<16xf32>
        %swap3A_336 = arith.index_cast %add3A_298 : i32 to index
        %swap3A_337 = arith.constant 16 : index
        %swap3A_338 = tpu.vector_load %arg13[%swap3A_336, %swap3A_337] {strides = array<i32>} : memref<112x128xf32, #tpu.memory_space<vmem>>, vector<16xf32>,
        tpu.vector_store %arg13[%swap3A_336, %swap3A_337], %mul3A_335 {strides = array<i32>} : memref<112x128xf32, #tpu.memory_space<vmem>>, vector<16xf32>,
        %get3A_339 = arith.index_cast %add3A_298 : i32 to index
        %get3A_340 = arith.constant 32 : index
        %get3A_341 = tpu.vector_load %arg10[%get3A_339, %get3A_340] {strides = array<i32>} : memref<112x128xf32, #tpu.memory_space<vmem>>, vector<16xf32>,
        %add3A_342 = arith.constant 16 : i32
        %add3A_343 = vector.broadcast %add3A_342 : i32 to vector<16xi32>
        %add3A_344 = arith.addi %add3A_343, %select_n3A_112 : vector<16xi32>
        %gather3A_345 = tpu.vector_load_idx %arg12[%add3A_344] : memref<32xf32, #tpu.memory_space<vmem>>[vector<16xi32>], vector<16xf32>,
        %mul3A_346 = arith.mulf %gather3A_345, %get3A_341 : vector<16xf32>
        %swap3A_347 = arith.index_cast %add3A_298 : i32 to index
        %swap3A_348 = arith.constant 32 : index
        %swap3A_349 = tpu.vector_load %arg13[%swap3A_347, %swap3A_348] {strides = array<i32>} : memref<112x128xf32, #tpu.memory_space<vmem>>, vector<16xf32>,
        tpu.vector_store %arg13[%swap3A_347, %swap3A_348], %mul3A_346 {strides = array<i32>} : memref<112x128xf32, #tpu.memory_space<vmem>>, vector<16xf32>,
        %get3A_350 = arith.index_cast %add3A_298 : i32 to index
        %get3A_351 = arith.constant 48 : index
        %get3A_352 = tpu.vector_load %arg10[%get3A_350, %get3A_351] {strides = array<i32>} : memref<112x128xf32, #tpu.memory_space<vmem>>, vector<16xf32>,
        %add3A_353 = arith.constant 16 : i32
        %add3A_354 = vector.broadcast %add3A_353 : i32 to vector<16xi32>
        %add3A_355 = arith.addi %add3A_354, %select_n3A_146 : vector<16xi32>
        %gather3A_356 = tpu.vector_load_idx %arg12[%add3A_355] : memref<32xf32, #tpu.memory_space<vmem>>[vector<16xi32>], vector<16xf32>,
        %mul3A_357 = arith.mulf %gather3A_356, %get3A_352 : vector<16xf32>
        %swap3A_358 = arith.index_cast %add3A_298 : i32 to index
        %swap3A_359 = arith.constant 48 : index
        %swap3A_360 = tpu.vector_load %arg13[%swap3A_358, %swap3A_359] {strides = array<i32>} : memref<112x128xf32, #tpu.memory_space<vmem>>, vector<16xf32>,
        tpu.vector_store %arg13[%swap3A_358, %swap3A_359], %mul3A_357 {strides = array<i32>} : memref<112x128xf32, #tpu.memory_space<vmem>>, vector<16xf32>,
        %get3A_361 = arith.index_cast %add3A_298 : i32 to index
        %get3A_362 = arith.constant 64 : index
        %get3A_363 = tpu.vector_load %arg10[%get3A_361, %get3A_362] {strides = array<i32>} : memref<112x128xf32, #tpu.memory_space<vmem>>, vector<16xf32>,
        %add3A_364 = arith.constant 16 : i32
        %add3A_365 = vector.broadcast %add3A_364 : i32 to vector<16xi32>
        %add3A_366 = arith.addi %add3A_365, %select_n3A_180 : vector<16xi32>
        %gather3A_367 = tpu.vector_load_idx %arg12[%add3A_366] : memref<32xf32, #tpu.memory_space<vmem>>[vector<16xi32>], vector<16xf32>,
        %mul3A_368 = arith.mulf %gather3A_367, %get3A_363 : vector<16xf32>
        %swap3A_369 = arith.index_cast %add3A_298 : i32 to index
        %swap3A_370 = arith.constant 64 : index
        %swap3A_371 = tpu.vector_load %arg13[%swap3A_369, %swap3A_370] {strides = array<i32>} : memref<112x128xf32, #tpu.memory_space<vmem>>, vector<16xf32>,
        tpu.vector_store %arg13[%swap3A_369, %swap3A_370], %mul3A_368 {strides = array<i32>} : memref<112x128xf32, #tpu.memory_space<vmem>>, vector<16xf32>,
      }
      %scan3A_219 = arith.constant 56 : i32
      "tpu.region"() ({
        %run_scoped3A = tpu.sem_alloc : memref<!tpu.dma_semaphore, #tpu.memory_space<semaphore_mem>>
        %dma_start3A_220 = arith.constant 0 : i32
        %dma_start3A_221 = arith.constant 0 : i32
        %dma_start3A_222 = tpu.memref_slice %arg15[%dma_start3A_220, %dma_start3A_221] : memref<10112x128xf32, #tpu.memory_space<vmem_shared>> -> memref<10112x128xf32, #tpu.memory_space<vmem_shared>>
        tpu.enqueue_indirect_dma source(%arg13 : memref<112x128xf32, #tpu.memory_space<vmem>>) target(%dma_start3A_222 : memref<10112x128xf32, #tpu.memory_space<vmem_shared>>) offsets(%arg9 : memref<112xi32, #tpu.memory_space<vmem>>) semaphore(%run_scoped3A : memref<!tpu.dma_semaphore, #tpu.memory_space<semaphore_mem>>) {add = true}
        %dma_wait3A_223 = arith.constant 0 : i32
        %dma_wait3A_224 = arith.constant 0 : i32
        %dma_wait3A_225 = tpu.memref_slice %arg15[%dma_wait3A_223, %dma_wait3A_224] : memref<10112x128xf32, #tpu.memory_space<vmem_shared>> -> memref<10112x128xf32, #tpu.memory_space<vmem_shared>>
        tpu.wait_indirect_dma semaphore(%run_scoped3A : memref<!tpu.dma_semaphore, #tpu.memory_space<semaphore_mem>>) src(%arg13 : memref<112x128xf32, #tpu.memory_space<vmem>>) dst(%dma_wait3A_225 : memref<10112x128xf32, #tpu.memory_space<vmem_shared>>)
        tpu.yield
      }) : () -> ()
    }
    %scan3A_194 = arith.constant 182 : i32
    %barrier3A_195 = arith.constant 0 : index
    tpu.barrier barrier_id(%barrier3A_195)
    %mul3A_196 = arith.constant 632 : i32
    %mul3A_197 = arith.muli %arg1, %mul3A_196 : i32
    %mul3A_198 = arith.constant 632 : i32
    %mul3A_199 = arith.muli %arg1, %mul3A_198 : i32
    "tpu.region"() ({
      %run_scoped3A = tpu.sem_alloc : memref<!tpu.dma_semaphore, #tpu.memory_space<semaphore_mem>>
      %dma_start3A = arith.constant 0 : i32
      %dma_start3A_200 = tpu.memref_slice %arg7[%arg0, %mul3A_199, %dma_start3A] : memref<2x10112x128xf32, #tpu.memory_space<hbm>> -> memref<1x632x128xf32, #tpu.memory_space<hbm>>
      %dma_start3A_201 = tpu.memref_squeeze %dma_start3A_200 : memref<1x632x128xf32, #tpu.memory_space<hbm>> -> memref<632x128xf32, #tpu.memory_space<hbm>>
      %dma_start3A_202 = arith.constant 0 : i32
      %dma_start3A_203 = tpu.memref_slice %arg15[%mul3A_197, %dma_start3A_202] : memref<10112x128xf32, #tpu.memory_space<vmem_shared>> -> memref<632x128xf32, #tpu.memory_space<vmem_shared>>
      tpu.enqueue_dma source(%dma_start3A_203 : memref<632x128xf32, #tpu.memory_space<vmem_shared>>) target(%dma_start3A_201 : memref<632x128xf32, #tpu.memory_space<hbm>>) target_semaphore(%run_scoped3A : memref<!tpu.dma_semaphore, #tpu.memory_space<semaphore_mem>>)
      %dma_wait3A = arith.constant 0 : i32
      %dma_wait3A_204 = tpu.memref_slice %arg7[%arg0, %mul3A_199, %dma_wait3A] : memref<2x10112x128xf32, #tpu.memory_space<hbm>> -> memref<1x632x128xf32, #tpu.memory_space<hbm>>
      %dma_wait3A_205 = tpu.memref_squeeze %dma_wait3A_204 : memref<1x632x128xf32, #tpu.memory_space<hbm>> -> memref<632x128xf32, #tpu.memory_space<hbm>>
      %dma_wait3A_206 = arith.constant 0 : i32
      %dma_wait3A_207 = tpu.memref_slice %arg15[%mul3A_197, %dma_wait3A_206] : memref<10112x128xf32, #tpu.memory_space<vmem_shared>> -> memref<632x128xf32, #tpu.memory_space<vmem_shared>>
      tpu.wait_dma2 semaphore(%run_scoped3A : memref<!tpu.dma_semaphore, #tpu.memory_space<semaphore_mem>>) src(%dma_wait3A_207 : memref<632x128xf32, #tpu.memory_space<vmem_shared>>) dst(%dma_wait3A_205 : memref<632x128xf32, #tpu.memory_space<hbm>>)
      tpu.yield
    }) : () -> ()
    return
  }
}

module attributes {stable_mosaic.version = 14 : i64} {
  func.func @_tca_body(%arg0: i32, %arg1: i32, %arg2: memref<400x512xf32, #tpu.memory_space<vmem>>, %arg3: memref<512x384xf32, #tpu.memory_space<vmem>>, %arg4: memref<64x128xf32, #tpu.memory_space<vmem>>, %arg5: memref<1x384xf32, #tpu.memory_space<vmem>>, %arg6: memref<400x384xf32, #tpu.memory_space<vmem>>, %arg7: memref<400x128xf32, #tpu.memory_space<vmem>>, %arg8: memref<8x16xf32, #tpu.memory_space<vmem>>) attributes {dimension_semantics = [#tpu.dimension_semantics<arbitrary>, #tpu.dimension_semantics<arbitrary>], iteration_bounds = array<i64: 25, 4>, scalar_prefetch = 0 : i64, scratch_operands = 0 : i64, tpu.core_type = #tpu.core_type<tc>, window_params = [{transform_indices = @transform_0, window_bounds = array<i64: 400, 512>}, {transform_indices = @transform_1, window_bounds = array<i64: 512, 384>}, {pipeline_mode = #tpu.pipeline_mode<synchronous>, transform_indices = @transform_2, window_bounds = array<i64: 64, 128>}, {pipeline_mode = #tpu.pipeline_mode<synchronous>, transform_indices = @transform_3, window_bounds = array<i64: 1, 384>}, {transform_indices = @transform_4, window_bounds = array<i64: 400, 384>}, {transform_indices = @transform_5, window_bounds = array<i64: 400, 128>}, {pipeline_mode = #tpu.pipeline_mode<synchronous>, transform_indices = @transform_6, window_bounds = array<i64: 8, 16>}]} {
    %eq3A = arith.constant 0 : i32
    %eq3A_0 = arith.cmpi eq, %arg1, %eq3A : i32
    %convert_element_type3A = arith.extui %eq3A_0 : i1 to i32
    %cond3A = arith.constant 0 : i32
    %cond3A_1 = arith.cmpi ne, %convert_element_type3A, %cond3A : i32
    scf.if %cond3A_1 {
      %broadcast_in_dim3A = arith.constant 0.000000e+00 : f32
      %broadcast_in_dim3A_18 = vector.broadcast %broadcast_in_dim3A : f32 to vector<400x384xf32>
      %swap3A_19 = arith.constant 0 : index
      %swap3A_20 = arith.constant 0 : index
      %swap3A_21 = vector.load %arg6[%swap3A_19, %swap3A_20] : memref<400x384xf32, #tpu.memory_space<vmem>>, vector<400x384xf32>
      tpu.vector_store %arg6[%swap3A_19, %swap3A_20], %broadcast_in_dim3A_18 {strides = array<i32>} : memref<400x384xf32, #tpu.memory_space<vmem>>, vector<400x384xf32>,
    } else {
    }
    %get3A = arith.constant 0 : index
    %get3A_2 = arith.constant 0 : index
    %get3A_3 = vector.load %arg6[%get3A, %get3A_2] : memref<400x384xf32, #tpu.memory_space<vmem>>, vector<400x384xf32>
    %get3A_4 = arith.constant 0 : index
    %get3A_5 = arith.constant 0 : index
    %get3A_6 = vector.load %arg2[%get3A_4, %get3A_5] : memref<400x512xf32, #tpu.memory_space<vmem>>, vector<400x512xf32>
    %get3A_7 = arith.constant 0 : index
    %get3A_8 = arith.constant 0 : index
    %get3A_9 = vector.load %arg3[%get3A_7, %get3A_8] : memref<512x384xf32, #tpu.memory_space<vmem>>, vector<512x384xf32>
    %dot_general3A = arith.constant dense<0.000000e+00> : vector<400x384xf32>
    %dot_general3A_10 = tpu.matmul %get3A_6, %get3A_9, %dot_general3A {dimension_numbers = #tpu.dot_dimension_numbers<[1], [0], [0], [1], [0, 0, 1, 1], [], []>, transpose_lhs_hint = false} : vector<400x512xf32>, vector<512x384xf32>, vector<400x384xf32> -> vector<400x384xf32>
    %add3A = arith.addf %get3A_3, %dot_general3A_10 : vector<400x384xf32>
    %swap3A = arith.constant 0 : index
    %swap3A_11 = arith.constant 0 : index
    %swap3A_12 = vector.load %arg6[%swap3A, %swap3A_11] : memref<400x384xf32, #tpu.memory_space<vmem>>, vector<400x384xf32>
    tpu.vector_store %arg6[%swap3A, %swap3A_11], %add3A {strides = array<i32>} : memref<400x384xf32, #tpu.memory_space<vmem>>, vector<400x384xf32>,
    %eq3A_13 = arith.constant 3 : i32
    %eq3A_14 = arith.cmpi eq, %arg1, %eq3A_13 : i32
    %convert_element_type3A_15 = arith.extui %eq3A_14 : i1 to i32
    %cond3A_16 = arith.constant 0 : i32
    %cond3A_17 = arith.cmpi ne, %convert_element_type3A_15, %cond3A_16 : i32
    scf.if %cond3A_17 {
      %get3A_18 = arith.constant 0 : index
      %get3A_19 = arith.constant 0 : index
      %get3A_20 = vector.load %arg6[%get3A_18, %get3A_19] : memref<400x384xf32, #tpu.memory_space<vmem>>, vector<400x384xf32>
      %get3A_21 = arith.constant 0 : index
      %get3A_22 = arith.constant 0 : index
      %get3A_23 = vector.load %arg5[%get3A_21, %get3A_22] : memref<1x384xf32, #tpu.memory_space<vmem>>, vector<1x384xf32>
      %add3A_24 = vector.broadcast %get3A_23 : vector<1x384xf32> to vector<400x384xf32>
      %add3A_25 = arith.addf %get3A_20, %add3A_24 : vector<400x384xf32>
      %swap3A_26 = arith.constant 0 : index
      %swap3A_27 = arith.constant 0 : index
      %swap3A_28 = vector.load %arg6[%swap3A_26, %swap3A_27] : memref<400x384xf32, #tpu.memory_space<vmem>>, vector<400x384xf32>
      tpu.vector_store %arg6[%swap3A_26, %swap3A_27], %add3A_25 {strides = array<i32>} : memref<400x384xf32, #tpu.memory_space<vmem>>, vector<400x384xf32>,
      %slice3A = vector.extract_strided_slice %add3A_25 {offsets = [0, 0], sizes = [400, 64], strides = [1, 1]} : vector<400x384xf32> to vector<400x64xf32>
      %iota3A = tpu.iota {dimensions = array<i32: 1>} : vector<400x128xi32>
      %jit3A = arith.constant 10 : i32
      %eq3A_29 = arith.constant 0 : i32
      %eq3A_30 = arith.cmpi eq, %jit3A, %eq3A_29 : i32
      %jit3A_31 = arith.constant 1 : i32
      %select_n3A = arith.select %eq3A_30, %jit3A_31, %jit3A : i32
      %rem3A = vector.broadcast %select_n3A : i32 to vector<400x128xi32>
      %rem3A_32 = arith.remsi %iota3A, %rem3A : vector<400x128xi32>
      %ne3A = arith.constant 0 : i32
      %ne3A_33 = vector.broadcast %ne3A : i32 to vector<400x128xi32>
      %ne3A_34 = arith.cmpi ne, %rem3A_32, %ne3A_33 : vector<400x128xi32>
      %lt3A = arith.constant 0 : i32
      %lt3A_35 = vector.broadcast %lt3A : i32 to vector<400x128xi32>
      %lt3A_36 = arith.cmpi slt, %rem3A_32, %lt3A_35 : vector<400x128xi32>
      %lt3A_37 = arith.constant 0 : i32
      %lt3A_38 = arith.cmpi slt, %select_n3A, %lt3A_37 : i32
      %ne3A_39 = vector.broadcast %lt3A_38 : i1 to vector<400x128xi1>
      %ne3A_40 = vector.broadcast %ne3A_39 : vector<400x128xi1> to vector<400x128xi1>
      %ne3A_41 = arith.xori %lt3A_36, %ne3A_40 : vector<400x128xi1>
      %and3A = arith.andi %ne3A_41, %ne3A_34 : vector<400x128xi1>
      %add3A_42 = vector.broadcast %select_n3A : i32 to vector<400x128xi32>
      %add3A_43 = arith.addi %rem3A_32, %add3A_42 : vector<400x128xi32>
      %select_n3A_44 = arith.select %and3A, %add3A_43, %rem3A_32 : vector<400x128xi1>, vector<400x128xi32>
      %eq3A_45 = arith.constant 8 : i32
      %eq3A_46 = vector.broadcast %eq3A_45 : i32 to vector<400x128xi32>
      %eq3A_47 = arith.cmpi eq, %select_n3A_44, %eq3A_46 : vector<400x128xi32>
      %lt3A_48 = arith.constant 80 : i32
      %lt3A_49 = vector.broadcast %lt3A_48 : i32 to vector<400x128xi32>
      %lt3A_50 = arith.cmpi slt, %iota3A, %lt3A_49 : vector<400x128xi32>
      %and3A_51 = arith.andi %eq3A_47, %lt3A_50 : vector<400x128xi1>
      %jit3A_52 = arith.constant 1.000000e+00 : f32
      %jit3A_53 = arith.constant 0.000000e+00 : f32
      %broadcast_in_dim3A = vector.broadcast %jit3A_52 : f32 to vector<400x128xf32>
      %broadcast_in_dim3A_54 = vector.broadcast %jit3A_53 : f32 to vector<400x128xf32>
      %select_n3A_55 = arith.select %and3A_51, %broadcast_in_dim3A, %broadcast_in_dim3A_54 : vector<400x128xi1>, vector<400x128xf32>
      %get3A_56 = arith.constant 0 : index
      %get3A_57 = arith.constant 0 : index
      %get3A_58 = vector.load %arg4[%get3A_56, %get3A_57] : memref<64x128xf32, #tpu.memory_space<vmem>>, vector<64x128xf32>
      %dot_general3A_59 = arith.constant dense<0.000000e+00> : vector<400x128xf32>
      %dot_general3A_60 = tpu.matmul %slice3A, %get3A_58, %dot_general3A_59 {dimension_numbers = #tpu.dot_dimension_numbers<[1], [0], [0], [1], [0, 0, 1, 1], [], []>, transpose_lhs_hint = false} : vector<400x64xf32>, vector<64x128xf32>, vector<400x128xf32> -> vector<400x128xf32>
      %add3A_61 = arith.addf %dot_general3A_60, %select_n3A_55 : vector<400x128xf32>
      %swap3A_62 = arith.constant 0 : index
      %swap3A_63 = arith.constant 0 : index
      %swap3A_64 = vector.load %arg7[%swap3A_62, %swap3A_63] : memref<400x128xf32, #tpu.memory_space<vmem>>, vector<400x128xf32>
      tpu.vector_store %arg7[%swap3A_62, %swap3A_63], %add3A_61 {strides = array<i32>} : memref<400x128xf32, #tpu.memory_space<vmem>>, vector<400x128xf32>,
      %slice3A_65 = vector.extract_strided_slice %add3A_61 {offsets = [0, 80], sizes = [400, 16], strides = [1, 1]} : vector<400x128xf32> to vector<400x16xf32>
      %reduce_max3A = arith.constant dense<0xFF800000> : vector<16xf32>
      %reduce_max3A_66 = vector.multi_reduction <maximumf>, %slice3A_65, %reduce_max3A [0] : vector<400x16xf32> to vector<16xf32>
      %broadcast_in_dim3A_67 = vector.shape_cast %reduce_max3A_66 : vector<16xf32> to vector<1x16xf32>
      %slice3A_68 = vector.extract_strided_slice %add3A_61 {offsets = [0, 96], sizes = [400, 16], strides = [1, 1]} : vector<400x128xf32> to vector<400x16xf32>
      %reduce_max3A_69 = arith.constant dense<0xFF800000> : vector<16xf32>
      %reduce_max3A_70 = vector.multi_reduction <maximumf>, %slice3A_68, %reduce_max3A_69 [0] : vector<400x16xf32> to vector<16xf32>
      %broadcast_in_dim3A_71 = vector.shape_cast %reduce_max3A_70 : vector<16xf32> to vector<1x16xf32>
      %broadcast_in_dim3A_72 = arith.constant -1.000000e+30 : f32
      %broadcast_in_dim3A_73 = vector.broadcast %broadcast_in_dim3A_72 : f32 to vector<6x16xf32>
      %concatenate3A = tpu.concatenate %broadcast_in_dim3A_67, %broadcast_in_dim3A_71, %broadcast_in_dim3A_73 in 0 : vector<1x16xf32>, vector<1x16xf32>, vector<6x16xf32> -> vector<8x16xf32>
      %eq3A_74 = arith.constant 0 : i32
      %eq3A_75 = arith.cmpi eq, %arg0, %eq3A_74 : i32
      %convert_element_type3A_76 = arith.extui %eq3A_75 : i1 to i32
      %cond3A_77 = arith.constant 0 : i32
      %cond3A_78 = arith.cmpi ne, %convert_element_type3A_76, %cond3A_77 : i32
      scf.if %cond3A_78 {
        %swap3A_83 = arith.constant 0 : index
        %swap3A_84 = arith.constant 0 : index
        %swap3A_85 = vector.load %arg8[%swap3A_83, %swap3A_84] : memref<8x16xf32, #tpu.memory_space<vmem>>, vector<8x16xf32>
        tpu.vector_store %arg8[%swap3A_83, %swap3A_84], %concatenate3A {strides = array<i32>} : memref<8x16xf32, #tpu.memory_space<vmem>>, vector<8x16xf32>,
      } else {
      }
      %gt3A = arith.constant 0 : i32
      %gt3A_79 = arith.cmpi sgt, %arg0, %gt3A : i32
      %convert_element_type3A_80 = arith.extui %gt3A_79 : i1 to i32
      %cond3A_81 = arith.constant 0 : i32
      %cond3A_82 = arith.cmpi ne, %convert_element_type3A_80, %cond3A_81 : i32
      scf.if %cond3A_82 {
        %get3A_83 = arith.constant 0 : index
        %get3A_84 = arith.constant 0 : index
        %get3A_85 = vector.load %arg8[%get3A_83, %get3A_84] : memref<8x16xf32, #tpu.memory_space<vmem>>, vector<8x16xf32>
        %max3A = arith.maximumf %get3A_85, %concatenate3A : vector<8x16xf32>
        %swap3A_86 = arith.constant 0 : index
        %swap3A_87 = arith.constant 0 : index
        %swap3A_88 = vector.load %arg8[%swap3A_86, %swap3A_87] : memref<8x16xf32, #tpu.memory_space<vmem>>, vector<8x16xf32>
        tpu.vector_store %arg8[%swap3A_86, %swap3A_87], %max3A {strides = array<i32>} : memref<8x16xf32, #tpu.memory_space<vmem>>, vector<8x16xf32>,
      } else {
      }
    } else {
    }
    return
  }
  func.func @transform_0(%arg0: i32, %arg1: i32) -> (i32, i32) {
    %c0_i32 = arith.constant 0 : i32
    return %arg0, %arg1 : i32, i32
  }
  func.func @transform_1(%arg0: i32, %arg1: i32) -> (i32, i32) {
    %c0_i32 = arith.constant 0 : i32
    %c0_i32_0 = arith.constant 0 : i32
    return %arg1, %c0_i32 : i32, i32
  }
  func.func @transform_2(%arg0: i32, %arg1: i32) -> (i32, i32) {
    %c0_i32 = arith.constant 0 : i32
    %c0_i32_0 = arith.constant 0 : i32
    %c0_i32_1 = arith.constant 0 : i32
    return %c0_i32, %c0_i32_0 : i32, i32
  }
  func.func @transform_3(%arg0: i32, %arg1: i32) -> (i32, i32) {
    %c0_i32 = arith.constant 0 : i32
    %c0_i32_0 = arith.constant 0 : i32
    %c0_i32_1 = arith.constant 0 : i32
    return %c0_i32, %c0_i32_0 : i32, i32
  }
  func.func @transform_4(%arg0: i32, %arg1: i32) -> (i32, i32) {
    %c0_i32 = arith.constant 0 : i32
    %c0_i32_0 = arith.constant 0 : i32
    return %arg0, %c0_i32 : i32, i32
  }
  func.func @transform_5(%arg0: i32, %arg1: i32) -> (i32, i32) {
    %c0_i32 = arith.constant 0 : i32
    %c0_i32_0 = arith.constant 0 : i32
    return %arg0, %c0_i32 : i32, i32
  }
  func.func @transform_6(%arg0: i32, %arg1: i32) -> (i32, i32) {
    %c0_i32 = arith.constant 0 : i32
    %c0_i32_0 = arith.constant 0 : i32
    %c0_i32_1 = arith.constant 0 : i32
    return %c0_i32, %c0_i32_0 : i32, i32
  }
}

module attributes {stable_mosaic.version = 14 : i64} {
  func.func @_tcb_body(%arg0: i32, %arg1: memref<2528x80xf32, #tpu.memory_space<vmem>>, %arg2: memref<2528x80xf32, #tpu.memory_space<vmem>>, %arg3: memref<80x80xf32, #tpu.memory_space<vmem>>, %arg4: memref<80x64xf32, #tpu.memory_space<vmem>>, %arg5: memref<1x64xf32, #tpu.memory_space<vmem>>, %arg6: memref<64x32xf32, #tpu.memory_space<vmem>>, %arg7: memref<32x16xf32, #tpu.memory_space<vmem>>, %arg8: memref<32x16xf32, #tpu.memory_space<vmem>>, %arg9: memref<2528x128xf32, #tpu.memory_space<vmem>>, %arg10: memref<8x16xf32, #tpu.memory_space<vmem>>) attributes {dimension_semantics = [#tpu.dimension_semantics<arbitrary>], iteration_bounds = array<i64: 4>, scalar_prefetch = 0 : i64, scratch_operands = 0 : i64, tpu.core_type = #tpu.core_type<tc>, window_params = [{transform_indices = @transform_0, window_bounds = array<i64: 2528, 80>}, {transform_indices = @transform_1, window_bounds = array<i64: 2528, 80>}, {pipeline_mode = #tpu.pipeline_mode<synchronous>, transform_indices = @transform_2, window_bounds = array<i64: 80, 80>}, {pipeline_mode = #tpu.pipeline_mode<synchronous>, transform_indices = @transform_3, window_bounds = array<i64: 80, 64>}, {pipeline_mode = #tpu.pipeline_mode<synchronous>, transform_indices = @transform_4, window_bounds = array<i64: 1, 64>}, {pipeline_mode = #tpu.pipeline_mode<synchronous>, transform_indices = @transform_5, window_bounds = array<i64: 64, 32>}, {pipeline_mode = #tpu.pipeline_mode<synchronous>, transform_indices = @transform_6, window_bounds = array<i64: 32, 16>}, {pipeline_mode = #tpu.pipeline_mode<synchronous>, transform_indices = @transform_7, window_bounds = array<i64: 32, 16>}, {transform_indices = @transform_8, window_bounds = array<i64: 2528, 128>}, {pipeline_mode = #tpu.pipeline_mode<synchronous>, transform_indices = @transform_9, window_bounds = array<i64: 8, 16>}]} {
    %get3A = arith.constant 0 : index
    %get3A_0 = arith.constant 0 : index
    %get3A_1 = vector.load %arg1[%get3A, %get3A_0] : memref<2528x80xf32, #tpu.memory_space<vmem>>, vector<2528x80xf32>
    %get3A_2 = arith.constant 0 : index
    %get3A_3 = arith.constant 0 : index
    %get3A_4 = vector.load %arg2[%get3A_2, %get3A_3] : memref<2528x80xf32, #tpu.memory_space<vmem>>, vector<2528x80xf32>
    %add3A = arith.addf %get3A_1, %get3A_4 : vector<2528x80xf32>
    %get3A_5 = arith.constant 0 : index
    %get3A_6 = arith.constant 0 : index
    %get3A_7 = vector.load %arg3[%get3A_5, %get3A_6] : memref<80x80xf32, #tpu.memory_space<vmem>>, vector<80x80xf32>
    %dot_general3A = arith.constant dense<0.000000e+00> : vector<2528x80xf32>
    %dot_general3A_8 = tpu.matmul %add3A, %get3A_7, %dot_general3A {dimension_numbers = #tpu.dot_dimension_numbers<[1], [0], [0], [1], [0, 0, 1, 1], [], []>, transpose_lhs_hint = false} : vector<2528x80xf32>, vector<80x80xf32>, vector<2528x80xf32> -> vector<2528x80xf32>
    %add3A_9 = arith.constant 1.000000e-16 : f32
    %add3A_10 = vector.broadcast %add3A_9 : f32 to vector<2528x80xf32>
    %add3A_11 = arith.addf %dot_general3A_8, %add3A_10 : vector<2528x80xf32>
    %div3A = arith.divf %add3A, %add3A_11 : vector<2528x80xf32>
    %get3A_12 = arith.constant 0 : index
    %get3A_13 = arith.constant 0 : index
    %get3A_14 = vector.load %arg4[%get3A_12, %get3A_13] : memref<80x64xf32, #tpu.memory_space<vmem>>, vector<80x64xf32>
    %dot_general3A_15 = arith.constant dense<0.000000e+00> : vector<2528x64xf32>
    %dot_general3A_16 = tpu.matmul %div3A, %get3A_14, %dot_general3A_15 {dimension_numbers = #tpu.dot_dimension_numbers<[1], [0], [0], [1], [0, 0, 1, 1], [], []>, transpose_lhs_hint = false} : vector<2528x80xf32>, vector<80x64xf32>, vector<2528x64xf32> -> vector<2528x64xf32>
    %get3A_17 = arith.constant 0 : index
    %get3A_18 = arith.constant 0 : index
    %get3A_19 = vector.load %arg5[%get3A_17, %get3A_18] : memref<1x64xf32, #tpu.memory_space<vmem>>, vector<1x64xf32>
    %add3A_20 = vector.broadcast %get3A_19 : vector<1x64xf32> to vector<2528x64xf32>
    %add3A_21 = arith.addf %dot_general3A_16, %add3A_20 : vector<2528x64xf32>
    %gt3A = arith.constant 0.000000e+00 : f32
    %gt3A_22 = vector.broadcast %gt3A : f32 to vector<2528x64xf32>
    %gt3A_23 = arith.cmpf ogt, %add3A_21, %gt3A_22 : vector<2528x64xf32>
    %min3A = arith.constant 0.000000e+00 : f32
    %min3A_24 = vector.broadcast %min3A : f32 to vector<2528x64xf32>
    %min3A_25 = arith.minimumf %add3A_21, %min3A_24 : vector<2528x64xf32>
    %exp3A = math.exp %min3A_25 : vector<2528x64xf32>
    %sub3A = arith.constant 1.000000e+00 : f32
    %sub3A_26 = vector.broadcast %sub3A : f32 to vector<2528x64xf32>
    %sub3A_27 = arith.subf %exp3A, %sub3A_26 : vector<2528x64xf32>
    %select_n3A = arith.select %gt3A_23, %add3A_21, %sub3A_27 : vector<2528x64xi1>, vector<2528x64xf32>
    %get3A_28 = arith.constant 0 : index
    %get3A_29 = arith.constant 0 : index
    %get3A_30 = vector.load %arg6[%get3A_28, %get3A_29] : memref<64x32xf32, #tpu.memory_space<vmem>>, vector<64x32xf32>
    %dot_general3A_31 = arith.constant dense<0.000000e+00> : vector<2528x32xf32>
    %dot_general3A_32 = tpu.matmul %select_n3A, %get3A_30, %dot_general3A_31 {dimension_numbers = #tpu.dot_dimension_numbers<[1], [0], [0], [1], [0, 0, 1, 1], [], []>, transpose_lhs_hint = false} : vector<2528x64xf32>, vector<64x32xf32>, vector<2528x32xf32> -> vector<2528x32xf32>
    %iota3A = tpu.iota {dimensions = array<i32: 1>} : vector<2528x32xi32>
    %eq3A = arith.constant 21 : i32
    %eq3A_33 = vector.broadcast %eq3A : i32 to vector<2528x32xi32>
    %eq3A_34 = arith.cmpi eq, %iota3A, %eq3A_33 : vector<2528x32xi32>
    %jit3A = arith.constant 1.000000e+00 : f32
    %jit3A_35 = arith.constant 0.000000e+00 : f32
    %broadcast_in_dim3A = vector.broadcast %jit3A : f32 to vector<2528x32xf32>
    %broadcast_in_dim3A_36 = vector.broadcast %jit3A_35 : f32 to vector<2528x32xf32>
    %select_n3A_37 = arith.select %eq3A_34, %broadcast_in_dim3A, %broadcast_in_dim3A_36 : vector<2528x32xi1>, vector<2528x32xf32>
    %add3A_38 = arith.addf %dot_general3A_32, %select_n3A_37 : vector<2528x32xf32>
    %get3A_39 = arith.constant 0 : index
    %get3A_40 = arith.constant 0 : index
    %get3A_41 = vector.load %arg7[%get3A_39, %get3A_40] : memref<32x16xf32, #tpu.memory_space<vmem>>, vector<32x16xf32>
    %dot_general3A_42 = arith.constant dense<0.000000e+00> : vector<2528x16xf32>
    %dot_general3A_43 = tpu.matmul %dot_general3A_32, %get3A_41, %dot_general3A_42 {dimension_numbers = #tpu.dot_dimension_numbers<[1], [0], [0], [1], [0, 0, 1, 1], [], []>, transpose_lhs_hint = false} : vector<2528x32xf32>, vector<32x16xf32>, vector<2528x16xf32> -> vector<2528x16xf32>
    %get3A_44 = arith.constant 0 : index
    %get3A_45 = arith.constant 0 : index
    %get3A_46 = vector.load %arg8[%get3A_44, %get3A_45] : memref<32x16xf32, #tpu.memory_space<vmem>>, vector<32x16xf32>
    %dot_general3A_47 = arith.constant dense<0.000000e+00> : vector<2528x16xf32>
    %dot_general3A_48 = tpu.matmul %dot_general3A_32, %get3A_46, %dot_general3A_47 {dimension_numbers = #tpu.dot_dimension_numbers<[1], [0], [0], [1], [0, 0, 1, 1], [], []>, transpose_lhs_hint = false} : vector<2528x32xf32>, vector<32x16xf32>, vector<2528x16xf32> -> vector<2528x16xf32>
    %broadcast_in_dim3A_49 = arith.constant 0.000000e+00 : f32
    %broadcast_in_dim3A_50 = vector.broadcast %broadcast_in_dim3A_49 : f32 to vector<2528x64xf32>
    %concatenate3A = tpu.concatenate %add3A_38, %dot_general3A_43, %dot_general3A_48, %broadcast_in_dim3A_50 in 1 : vector<2528x32xf32>, vector<2528x16xf32>, vector<2528x16xf32>, vector<2528x64xf32> -> vector<2528x128xf32>
    %swap3A = arith.constant 0 : index
    %swap3A_51 = arith.constant 0 : index
    %swap3A_52 = vector.load %arg9[%swap3A, %swap3A_51] : memref<2528x128xf32, #tpu.memory_space<vmem>>, vector<2528x128xf32>
    tpu.vector_store %arg9[%swap3A, %swap3A_51], %concatenate3A {strides = array<i32>} : memref<2528x128xf32, #tpu.memory_space<vmem>>, vector<2528x128xf32>,
    %reduce_max3A = arith.constant dense<0xFF800000> : vector<16xf32>
    %reduce_max3A_53 = vector.multi_reduction <maximumf>, %dot_general3A_43, %reduce_max3A [0] : vector<2528x16xf32> to vector<16xf32>
    %broadcast_in_dim3A_54 = vector.shape_cast %reduce_max3A_53 : vector<16xf32> to vector<1x16xf32>
    %reduce_max3A_55 = arith.constant dense<0xFF800000> : vector<16xf32>
    %reduce_max3A_56 = vector.multi_reduction <maximumf>, %dot_general3A_48, %reduce_max3A_55 [0] : vector<2528x16xf32> to vector<16xf32>
    %broadcast_in_dim3A_57 = vector.shape_cast %reduce_max3A_56 : vector<16xf32> to vector<1x16xf32>
    %broadcast_in_dim3A_58 = arith.constant -1.000000e+30 : f32
    %broadcast_in_dim3A_59 = vector.broadcast %broadcast_in_dim3A_58 : f32 to vector<6x16xf32>
    %concatenate3A_60 = tpu.concatenate %broadcast_in_dim3A_54, %broadcast_in_dim3A_57, %broadcast_in_dim3A_59 in 0 : vector<1x16xf32>, vector<1x16xf32>, vector<6x16xf32> -> vector<8x16xf32>
    %eq3A_61 = arith.constant 0 : i32
    %eq3A_62 = arith.cmpi eq, %arg0, %eq3A_61 : i32
    %convert_element_type3A = arith.extui %eq3A_62 : i1 to i32
    %cond3A = arith.constant 0 : i32
    %cond3A_63 = arith.cmpi ne, %convert_element_type3A, %cond3A : i32
    scf.if %cond3A_63 {
      %swap3A_69 = arith.constant 0 : index
      %swap3A_70 = arith.constant 0 : index
      %swap3A_71 = vector.load %arg10[%swap3A_69, %swap3A_70] : memref<8x16xf32, #tpu.memory_space<vmem>>, vector<8x16xf32>
      tpu.vector_store %arg10[%swap3A_69, %swap3A_70], %concatenate3A_60 {strides = array<i32>} : memref<8x16xf32, #tpu.memory_space<vmem>>, vector<8x16xf32>,
    } else {
    }
    %gt3A_64 = arith.constant 0 : i32
    %gt3A_65 = arith.cmpi sgt, %arg0, %gt3A_64 : i32
    %convert_element_type3A_66 = arith.extui %gt3A_65 : i1 to i32
    %cond3A_67 = arith.constant 0 : i32
    %cond3A_68 = arith.cmpi ne, %convert_element_type3A_66, %cond3A_67 : i32
    scf.if %cond3A_68 {
      %get3A_69 = arith.constant 0 : index
      %get3A_70 = arith.constant 0 : index
      %get3A_71 = vector.load %arg10[%get3A_69, %get3A_70] : memref<8x16xf32, #tpu.memory_space<vmem>>, vector<8x16xf32>
      %max3A = arith.maximumf %get3A_71, %concatenate3A_60 : vector<8x16xf32>
      %swap3A_72 = arith.constant 0 : index
      %swap3A_73 = arith.constant 0 : index
      %swap3A_74 = vector.load %arg10[%swap3A_72, %swap3A_73] : memref<8x16xf32, #tpu.memory_space<vmem>>, vector<8x16xf32>
      tpu.vector_store %arg10[%swap3A_72, %swap3A_73], %max3A {strides = array<i32>} : memref<8x16xf32, #tpu.memory_space<vmem>>, vector<8x16xf32>,
    } else {
    }
    return
  }
  func.func @transform_0(%arg0: i32) -> (i32, i32) {
    %c0_i32 = arith.constant 0 : i32
    %c0_i32_0 = arith.constant 0 : i32
    return %arg0, %c0_i32 : i32, i32
  }
  func.func @transform_1(%arg0: i32) -> (i32, i32) {
    %c0_i32 = arith.constant 0 : i32
    %c0_i32_0 = arith.constant 0 : i32
    return %arg0, %c0_i32 : i32, i32
  }
  func.func @transform_2(%arg0: i32) -> (i32, i32) {
    %c0_i32 = arith.constant 0 : i32
    %c0_i32_0 = arith.constant 0 : i32
    %c0_i32_1 = arith.constant 0 : i32
    return %c0_i32, %c0_i32_0 : i32, i32
  }
  func.func @transform_3(%arg0: i32) -> (i32, i32) {
    %c0_i32 = arith.constant 0 : i32
    %c0_i32_0 = arith.constant 0 : i32
    %c0_i32_1 = arith.constant 0 : i32
    return %c0_i32, %c0_i32_0 : i32, i32
  }
  func.func @transform_4(%arg0: i32) -> (i32, i32) {
    %c0_i32 = arith.constant 0 : i32
    %c0_i32_0 = arith.constant 0 : i32
    %c0_i32_1 = arith.constant 0 : i32
    return %c0_i32, %c0_i32_0 : i32, i32
  }
  func.func @transform_5(%arg0: i32) -> (i32, i32) {
    %c0_i32 = arith.constant 0 : i32
    %c0_i32_0 = arith.constant 0 : i32
    %c0_i32_1 = arith.constant 0 : i32
    return %c0_i32, %c0_i32_0 : i32, i32
  }
  func.func @transform_6(%arg0: i32) -> (i32, i32) {
    %c0_i32 = arith.constant 0 : i32
    %c0_i32_0 = arith.constant 0 : i32
    %c0_i32_1 = arith.constant 0 : i32
    return %c0_i32, %c0_i32_0 : i32, i32
  }
  func.func @transform_7(%arg0: i32) -> (i32, i32) {
    %c0_i32 = arith.constant 0 : i32
    %c0_i32_0 = arith.constant 0 : i32
    %c0_i32_1 = arith.constant 0 : i32
    return %c0_i32, %c0_i32_0 : i32, i32
  }
  func.func @transform_8(%arg0: i32) -> (i32, i32) {
    %c0_i32 = arith.constant 0 : i32
    %c0_i32_0 = arith.constant 0 : i32
    return %arg0, %c0_i32 : i32, i32
  }
  func.func @transform_9(%arg0: i32) -> (i32, i32) {
    %c0_i32 = arith.constant 0 : i32
    %c0_i32_0 = arith.constant 0 : i32
    %c0_i32_1 = arith.constant 0 : i32
    return %c0_i32, %c0_i32_0 : i32, i32
  }
}

module attributes {stable_mosaic.version = 14 : i64} {
  func.func @_tcc_body(%arg0: i32, %arg1: memref<2528x32xf32, #tpu.memory_space<vmem>>, %arg2: memref<2528x32xf32, #tpu.memory_space<vmem>>, %arg3: memref<1x32xf32, #tpu.memory_space<vmem>>, %arg4: memref<32x32xf32, #tpu.memory_space<vmem>>, %arg5: memref<1x32xf32, #tpu.memory_space<vmem>>, %arg6: memref<2528x32xf32, #tpu.memory_space<vmem>>, %arg7: memref<1x32xf32, #tpu.memory_space<vmem>>) attributes {dimension_semantics = [#tpu.dimension_semantics<arbitrary>], iteration_bounds = array<i64: 4>, scalar_prefetch = 0 : i64, scratch_operands = 0 : i64, tpu.core_type = #tpu.core_type<tc>, window_params = [{transform_indices = @transform_0, window_bounds = array<i64: 2528, 32>}, {transform_indices = @transform_1, window_bounds = array<i64: 2528, 32>}, {pipeline_mode = #tpu.pipeline_mode<synchronous>, transform_indices = @transform_2, window_bounds = array<i64: 1, 32>}, {pipeline_mode = #tpu.pipeline_mode<synchronous>, transform_indices = @transform_3, window_bounds = array<i64: 32, 32>}, {pipeline_mode = #tpu.pipeline_mode<synchronous>, transform_indices = @transform_4, window_bounds = array<i64: 1, 32>}, {transform_indices = @transform_5, window_bounds = array<i64: 2528, 32>}, {pipeline_mode = #tpu.pipeline_mode<synchronous>, transform_indices = @transform_6, window_bounds = array<i64: 1, 32>}]} {
    %get3A = arith.constant 0 : index
    %get3A_0 = arith.constant 0 : index
    %get3A_1 = vector.load %arg1[%get3A, %get3A_0] : memref<2528x32xf32, #tpu.memory_space<vmem>>, vector<2528x32xf32>
    %get3A_2 = arith.constant 0 : index
    %get3A_3 = arith.constant 0 : index
    %get3A_4 = vector.load %arg2[%get3A_2, %get3A_3] : memref<2528x32xf32, #tpu.memory_space<vmem>>, vector<2528x32xf32>
    %add3A = arith.addf %get3A_1, %get3A_4 : vector<2528x32xf32>
    %iota3A = tpu.iota {dimensions = array<i32: 1>} : vector<2528x32xi32>
    %eq3A = arith.constant 21 : i32
    %eq3A_5 = vector.broadcast %eq3A : i32 to vector<2528x32xi32>
    %eq3A_6 = arith.cmpi eq, %iota3A, %eq3A_5 : vector<2528x32xi32>
    %jit3A = arith.constant 1.000000e+00 : f32
    %jit3A_7 = arith.constant 0.000000e+00 : f32
    %broadcast_in_dim3A = vector.broadcast %jit3A : f32 to vector<2528x32xf32>
    %broadcast_in_dim3A_8 = vector.broadcast %jit3A_7 : f32 to vector<2528x32xf32>
    %select_n3A = arith.select %eq3A_6, %broadcast_in_dim3A, %broadcast_in_dim3A_8 : vector<2528x32xi1>, vector<2528x32xf32>
    %mul3A = arith.mulf %add3A, %select_n3A : vector<2528x32xf32>
    %reduce_sum3A = arith.constant dense<0.000000e+00> : vector<2528xf32>
    %reduce_sum3A_9 = vector.multi_reduction <add>, %mul3A, %reduce_sum3A [1] : vector<2528x32xf32> to vector<2528xf32>
    %broadcast_in_dim3A_10 = vector.shape_cast %reduce_sum3A_9 : vector<2528xf32> to vector<2528x1xf32>
    %add3A_11 = arith.constant 1.000000e-16 : f32
    %add3A_12 = vector.broadcast %add3A_11 : f32 to vector<2528x1xf32>
    %add3A_13 = arith.addf %broadcast_in_dim3A_10, %add3A_12 : vector<2528x1xf32>
    %div3A = vector.broadcast %add3A_13 : vector<2528x1xf32> to vector<2528x32xf32>
    %div3A_14 = arith.divf %add3A, %div3A : vector<2528x32xf32>
    %get3A_15 = arith.constant 0 : index
    %get3A_16 = arith.constant 0 : index
    %get3A_17 = vector.load %arg3[%get3A_15, %get3A_16] : memref<1x32xf32, #tpu.memory_space<vmem>>, vector<1x32xf32>
    %add3A_18 = vector.broadcast %get3A_17 : vector<1x32xf32> to vector<2528x32xf32>
    %add3A_19 = arith.addf %div3A_14, %add3A_18 : vector<2528x32xf32>
    %get3A_20 = arith.constant 0 : index
    %get3A_21 = arith.constant 0 : index
    %get3A_22 = vector.load %arg4[%get3A_20, %get3A_21] : memref<32x32xf32, #tpu.memory_space<vmem>>, vector<32x32xf32>
    %dot_general3A = arith.constant dense<0.000000e+00> : vector<2528x32xf32>
    %dot_general3A_23 = tpu.matmul %add3A_19, %get3A_22, %dot_general3A {dimension_numbers = #tpu.dot_dimension_numbers<[1], [0], [0], [1], [0, 0, 1, 1], [], []>, transpose_lhs_hint = false} : vector<2528x32xf32>, vector<32x32xf32>, vector<2528x32xf32> -> vector<2528x32xf32>
    %get3A_24 = arith.constant 0 : index
    %get3A_25 = arith.constant 0 : index
    %get3A_26 = vector.load %arg5[%get3A_24, %get3A_25] : memref<1x32xf32, #tpu.memory_space<vmem>>, vector<1x32xf32>
    %add3A_27 = vector.broadcast %get3A_26 : vector<1x32xf32> to vector<2528x32xf32>
    %add3A_28 = arith.addf %dot_general3A_23, %add3A_27 : vector<2528x32xf32>
    %ge3A = arith.constant 21 : i32
    %ge3A_29 = vector.broadcast %ge3A : i32 to vector<2528x32xi32>
    %ge3A_30 = arith.cmpi sge, %iota3A, %ge3A_29 : vector<2528x32xi32>
    %jit3A_31 = arith.constant -1.000000e+30 : f32
    %jit3A_32 = arith.constant 0.000000e+00 : f32
    %broadcast_in_dim3A_33 = vector.broadcast %jit3A_31 : f32 to vector<2528x32xf32>
    %broadcast_in_dim3A_34 = vector.broadcast %jit3A_32 : f32 to vector<2528x32xf32>
    %select_n3A_35 = arith.select %ge3A_30, %broadcast_in_dim3A_33, %broadcast_in_dim3A_34 : vector<2528x32xi1>, vector<2528x32xf32>
    %add3A_36 = arith.addf %add3A_28, %select_n3A_35 : vector<2528x32xf32>
    %reduce_max3A = arith.constant dense<0xFF800000> : vector<2528xf32>
    %reduce_max3A_37 = vector.multi_reduction <maximumf>, %add3A_36, %reduce_max3A [1] : vector<2528x32xf32> to vector<2528xf32>
    %broadcast_in_dim3A_38 = vector.shape_cast %reduce_max3A_37 : vector<2528xf32> to vector<2528x1xf32>
    %sub3A = vector.broadcast %broadcast_in_dim3A_38 : vector<2528x1xf32> to vector<2528x32xf32>
    %sub3A_39 = arith.subf %add3A_36, %sub3A : vector<2528x32xf32>
    %exp3A = math.exp %sub3A_39 : vector<2528x32xf32>
    %reduce_sum3A_40 = arith.constant dense<0.000000e+00> : vector<2528xf32>
    %reduce_sum3A_41 = vector.multi_reduction <add>, %exp3A, %reduce_sum3A_40 [1] : vector<2528x32xf32> to vector<2528xf32>
    %broadcast_in_dim3A_42 = vector.shape_cast %reduce_sum3A_41 : vector<2528xf32> to vector<2528x1xf32>
    %div3A_43 = vector.broadcast %broadcast_in_dim3A_42 : vector<2528x1xf32> to vector<2528x32xf32>
    %div3A_44 = arith.divf %exp3A, %div3A_43 : vector<2528x32xf32>
    %swap3A = arith.constant 0 : index
    %swap3A_45 = arith.constant 0 : index
    %swap3A_46 = vector.load %arg6[%swap3A, %swap3A_45] : memref<2528x32xf32, #tpu.memory_space<vmem>>, vector<2528x32xf32>
    tpu.vector_store %arg6[%swap3A, %swap3A_45], %div3A_44 {strides = array<i32>} : memref<2528x32xf32, #tpu.memory_space<vmem>>, vector<2528x32xf32>,
    %iota3A_47 = tpu.iota {dimensions = array<i32: 0>} : vector<2528x32xi32>
    %mul3A_48 = arith.constant 2528 : i32
    %mul3A_49 = arith.muli %arg0, %mul3A_48 : i32
    %add3A_50 = vector.broadcast %mul3A_49 : i32 to vector<2528x32xi32>
    %add3A_51 = arith.addi %iota3A_47, %add3A_50 : vector<2528x32xi32>
    %lt3A = arith.constant 10000 : i32
    %lt3A_52 = vector.broadcast %lt3A : i32 to vector<2528x32xi32>
    %lt3A_53 = arith.cmpi slt, %add3A_51, %lt3A_52 : vector<2528x32xi32>
    %jit3A_54 = arith.constant 0.000000e+00 : f32
    %broadcast_in_dim3A_55 = vector.broadcast %jit3A_54 : f32 to vector<2528x32xf32>
    %select_n3A_56 = arith.select %lt3A_53, %div3A_44, %broadcast_in_dim3A_55 : vector<2528x32xi1>, vector<2528x32xf32>
    %reduce_sum3A_57 = arith.constant dense<0.000000e+00> : vector<32xf32>
    %reduce_sum3A_58 = vector.multi_reduction <add>, %select_n3A_56, %reduce_sum3A_57 [0] : vector<2528x32xf32> to vector<32xf32>
    %broadcast_in_dim3A_59 = vector.shape_cast %reduce_sum3A_58 : vector<32xf32> to vector<1x32xf32>
    %mul3A_60 = arith.constant 9.99999974E-5 : f32
    %mul3A_61 = vector.broadcast %mul3A_60 : f32 to vector<1x32xf32>
    %mul3A_62 = arith.mulf %broadcast_in_dim3A_59, %mul3A_61 : vector<1x32xf32>
    %eq3A_63 = arith.constant 0 : i32
    %eq3A_64 = arith.cmpi eq, %arg0, %eq3A_63 : i32
    %convert_element_type3A = arith.extui %eq3A_64 : i1 to i32
    %cond3A = arith.constant 0 : i32
    %cond3A_65 = arith.cmpi ne, %convert_element_type3A, %cond3A : i32
    scf.if %cond3A_65 {
      %swap3A_70 = arith.constant 0 : index
      %swap3A_71 = arith.constant 0 : index
      %swap3A_72 = vector.load %arg7[%swap3A_70, %swap3A_71] : memref<1x32xf32, #tpu.memory_space<vmem>>, vector<1x32xf32>
      tpu.vector_store %arg7[%swap3A_70, %swap3A_71], %mul3A_62 {strides = array<i32>} : memref<1x32xf32, #tpu.memory_space<vmem>>, vector<1x32xf32>,
    } else {
    }
    %gt3A = arith.constant 0 : i32
    %gt3A_66 = arith.cmpi sgt, %arg0, %gt3A : i32
    %convert_element_type3A_67 = arith.extui %gt3A_66 : i1 to i32
    %cond3A_68 = arith.constant 0 : i32
    %cond3A_69 = arith.cmpi ne, %convert_element_type3A_67, %cond3A_68 : i32
    scf.if %cond3A_69 {
      %get3A_70 = arith.constant 0 : index
      %get3A_71 = arith.constant 0 : index
      %get3A_72 = vector.load %arg7[%get3A_70, %get3A_71] : memref<1x32xf32, #tpu.memory_space<vmem>>, vector<1x32xf32>
      %add3A_73 = arith.addf %get3A_72, %mul3A_62 : vector<1x32xf32>
      %swap3A_74 = arith.constant 0 : index
      %swap3A_75 = arith.constant 0 : index
      %swap3A_76 = vector.load %arg7[%swap3A_74, %swap3A_75] : memref<1x32xf32, #tpu.memory_space<vmem>>, vector<1x32xf32>
      tpu.vector_store %arg7[%swap3A_74, %swap3A_75], %add3A_73 {strides = array<i32>} : memref<1x32xf32, #tpu.memory_space<vmem>>, vector<1x32xf32>,
    } else {
    }
    return
  }
  func.func @transform_0(%arg0: i32) -> (i32, i32) {
    %c0_i32 = arith.constant 0 : i32
    %c0_i32_0 = arith.constant 0 : i32
    return %arg0, %c0_i32 : i32, i32
  }
  func.func @transform_1(%arg0: i32) -> (i32, i32) {
    %c0_i32 = arith.constant 0 : i32
    %c0_i32_0 = arith.constant 0 : i32
    return %arg0, %c0_i32 : i32, i32
  }
  func.func @transform_2(%arg0: i32) -> (i32, i32) {
    %c0_i32 = arith.constant 0 : i32
    %c0_i32_0 = arith.constant 0 : i32
    %c0_i32_1 = arith.constant 0 : i32
    return %c0_i32, %c0_i32_0 : i32, i32
  }
  func.func @transform_3(%arg0: i32) -> (i32, i32) {
    %c0_i32 = arith.constant 0 : i32
    %c0_i32_0 = arith.constant 0 : i32
    %c0_i32_1 = arith.constant 0 : i32
    return %c0_i32, %c0_i32_0 : i32, i32
  }
  func.func @transform_4(%arg0: i32) -> (i32, i32) {
    %c0_i32 = arith.constant 0 : i32
    %c0_i32_0 = arith.constant 0 : i32
    %c0_i32_1 = arith.constant 0 : i32
    return %c0_i32, %c0_i32_0 : i32, i32
  }
  func.func @transform_5(%arg0: i32) -> (i32, i32) {
    %c0_i32 = arith.constant 0 : i32
    %c0_i32_0 = arith.constant 0 : i32
    return %arg0, %c0_i32 : i32, i32
  }
  func.func @transform_6(%arg0: i32) -> (i32, i32) {
    %c0_i32 = arith.constant 0 : i32
    %c0_i32_0 = arith.constant 0 : i32
    %c0_i32_1 = arith.constant 0 : i32
    return %c0_i32, %c0_i32_0 : i32, i32
  }
}

</mosaic_0001>

<sc_bundles>
// kernel: kernel.10.cloned.1.call-start
scs
__scs_entry_jumppad:
0x0: {  	(pc) =	sbr.rel $0x88, $3  }
0x1: {  	(tag) =	ssettag $0x0;
	lr =	simm.s32 $0x1  }
0x2: {  	[smem:$0x3F90] =	sst lr;
	_ =	strace $0xD0000000  }
0x3: {  	_ = 	snop  }
0x4: {  	_ = 	snop  }
0x5: {  	_ = 	snop  }
0x6: {  	_ = 	snop  }
0x7: {  	_ = 	snop  }
__scs_overlays_trampoline_lowered:
0x8: {  	[smem:$0x3F9F] =	sst s0  }
0x9: {  	[smem:$0x3FA0] =	sst s1  }
0xa: {  	[smem:$0x3FA1] =	sst s2  }
0xb: {  	[smem:$0x3FA2] =	sst s3  }
0xc: {  	[smem:$0x3FA3] =	sst s4  }
0xd: {  	[smem:$0x3FA4] =	sst s5  }
0xe: {  	[smem:$0x3FA5] =	sst s6  }
0xf: {  	[smem:$0x3FA6] =	sst s7  }
0x10: {  	[smem:$0x3FA7] =	sst s8  }
0x11: {  	[smem:$0x3FA8] =	sst s9;
	s0 =	simm.s32 @!p0 $0x0  }
0x12: {  	s1 =	sld [smem:$0x3F8E];
	s0 =	simm.s32 @p0 $0x1  }
0x13: {  	[smem:$0x3FA9] =	sst s0;
	s0 =	simm.s32 @!p1 $0x0  }
0x14: {  	s2 =	sld [smem:$0x3F8D];
	s0 =	simm.s32 @p1 $0x1  }
0x15: {  	[smem:$0x3FAA] =	sst s0;
	s0 =	simm.s32 @!p2 $0x0  }
0x16: {  	s3 =	sld [smem:$0x3FDB];
	s0 =	simm.s32 @p2 $0x1  }
0x17: {  	s4 =	simm.s32 $0x1BF5;
	[smem:$0x3FAC] =	sst s0  }
0x18: {  	s0 =	sld [smem:$0x3F8F];
	_ =	swait.ge [sflag:s4], $0x0  }
0x19: {  	s7 =	sld [smem:$0x3F90]  }
0x1a: {  	s8 =	sadd.s32 $0xFFFFE003, lr  }
0x1b: {  	s9 =	sadd.s32 $0xFFFFFEF7, lr;
	s5 =	simm.s32 $0xFFFFFFFF;
	p2 =	slt.u32 s8, $0xFFFFF086  }
0x1c: {  	p1 =	slt.u32 s9, $0xF7A;
	s5 =	simm.s32 @!p2 $0x0  }
0x1d: {  	s5 =	simm.s32 @p1 $0x1;
	p0 =	seq.s32 s7, s2  }
0x1e: {  	s7 =	smul.u32 @!p0 $0xF7A, s2;
	p2 =	seq.s32 @!p0 s5, $0x0  }
0x1f: {  	s9 =	smul.u32 $0xF7A, s1;
	s8 =	simm.s32 @!p0 $0x1BF5;
	p2 =	por !p2, p0  }
0x20: {  	[sflag:s8] =	ssyncset.s32 @!p0 $0xFFFFF086;
	s6 =	sadd.s32 @!p0 s3, s7;
	s7 =	simm.s32 @!p0 $0x108  }
0x21: {  	s3 =	sadd.s32 s3, s9;
	s6 =	sadd.s32 @!p0 $0x88, s6;
	s7 =	simm.s32 @p2 $0x1082  }
0x22: {  	[simem:s7], [sflag:s8] =	dma.local @!p0 [hbm:s6], $0xF7A  }
0x23: {  	s9 =	sor.u32 $0xD0000000, s2;
	s6 =	simm.s32 $0x108;
	_ =	swait.ge @!p0 [sflag:s8], $0x0  }
0x24: {  	s3 =	sadd.s32 $0x88, s3;
	s6 =	simm.s32 @!p1 $0x1082;
	[sflag:s4] =	ssyncset.s32 $0xFFFFF086  }
0x25: {  	[simem:s6], [sflag:s4] =	dma.local [hbm:s3], $0xF7A  }
0x26: {  	[smem:$0x3F90] =	sst s1;
	(tag) =	ssettag s2;
	_ =	strace s9  }
0x27: {  	s1 =	sld [smem:$0x3FA0]  }
0x28: {  	s2 =	sld [smem:$0x3FA1]  }
0x29: {  	s4 =	sld [smem:$0x3FA3]  }
0x2a: {  	p0 =	seq.s32 s5, $0x0;
	s5 =	sld [smem:$0x3FA4]  }
0x2b: {  	s6 =	sld [smem:$0x3FA5]  }
0x2c: {  	s7 =	sld [smem:$0x3FA6]  }
0x2d: {  	s3 =	simm.s32 $0x108;
	s8 =	sld [smem:$0x3FA7]  }
0x2e: {  	s3 =	simm.s32 @!p0 $0x1082;
	s9 =	sld [smem:$0x3FA8]  }
0x2f: {  	lr =	sadd.s32 s0, s3;
	s0 =	sld [smem:$0x3F9F]  }
0x30: {  	s3 =	sld [smem:$0x3FA2]  }
0x31: {  	[smem:$0x3FAB] =	sst s10  }
0x32: {  	s10 =	sld [smem:$0x3FA9];
	_ =	sdelay $0x3  }
0x33: {  	p0 =	seq.s32 s10, $0x1;
	s10 =	sld [smem:$0x3FAB];
	_ =	sdelay $0x3  }
0x34: {  	[smem:$0x3FAB] =	sst s10  }
0x35: {  	s10 =	sld [smem:$0x3FAA];
	_ =	sdelay $0x3  }
0x36: {  	p1 =	seq.s32 s10, $0x1;
	s10 =	sld [smem:$0x3FAB];
	_ =	sdelay $0x3  }
0x37: {  	[smem:$0x3FAB] =	sst s10  }
0x38: {  	s10 =	sld [smem:$0x3FAC]  }
0x39: {  	_ = 	snop;
	(pc) =	sbr.ind lr, $3  }
0x3a: {  	_ = 	snop  }
0x3b: {  	_ = 	snop  }
0x3c: {  	p2 =	seq.s32 s10, $0x1;
	s10 =	sld [smem:$0x3FAB]  }
0x3d: {  	_ =	shalt  }
0x3e: {  	_ =	shalt  }
0x3f: {  	_ =	shalt  }
0x40: {  	_ =	shalt  }
0x41: {  	_ =	shalt  }
0x42: {  	_ =	shalt  }
0x43: {  	_ =	shalt  }
0x44: {  	_ =	shalt  }
0x45: {  	_ =	shalt  }
0x46: {  	_ =	shalt  }
0x47: {  	_ =	shalt  }
0x48: {  	_ =	shalt  }
0x49: {  	_ =	shalt  }
0x4a: {  	_ =	shalt  }
0x4b: {  	_ =	shalt  }
0x4c: {  	_ =	shalt  }
0x4d: {  	_ =	shalt  }
0x4e: {  	_ =	shalt  }
0x4f: {  	_ =	shalt  }
0x50: {  	_ =	shalt  }
0x51: {  	_ =	shalt  }
0x52: {  	_ =	shalt  }
0x53: {  	_ =	shalt  }
0x54: {  	_ =	shalt  }
0x55: {  	_ =	shalt  }
0x56: {  	_ =	shalt  }
0x57: {  	_ =	shalt  }
0x58: {  	_ =	shalt  }
0x59: {  	_ =	shalt  }
0x5a: {  	_ =	shalt  }
0x5b: {  	_ =	shalt  }
0x5c: {  	_ =	shalt  }
0x5d: {  	_ =	shalt  }
0x5e: {  	_ =	shalt  }
0x5f: {  	_ =	shalt  }
0x60: {  	_ =	shalt  }
0x61: {  	_ =	shalt  }
0x62: {  	_ =	shalt  }
0x63: {  	_ =	shalt  }
0x64: {  	_ =	shalt  }
0x65: {  	_ =	shalt  }
0x66: {  	_ =	shalt  }
0x67: {  	_ =	shalt  }
0x68: {  	_ =	shalt  }
0x69: {  	_ =	shalt  }
0x6a: {  	_ =	shalt  }
0x6b: {  	_ =	shalt  }
0x6c: {  	_ =	shalt  }
0x6d: {  	_ =	shalt  }
0x6e: {  	_ =	shalt  }
0x6f: {  	_ =	shalt  }
0x70: {  	_ =	shalt  }
0x71: {  	_ =	shalt  }
0x72: {  	_ =	shalt  }
0x73: {  	_ =	shalt  }
0x74: {  	_ =	shalt  }
0x75: {  	_ =	shalt  }
0x76: {  	_ =	shalt  }
0x77: {  	_ =	shalt  }
0x78: {  	_ =	shalt  }
0x79: {  	_ =	shalt  }
0x7a: {  	_ =	shalt  }
0x7b: {  	_ =	shalt  }
0x7c: {  	_ =	shalt  }
0x7d: {  	_ =	shalt  }
0x7e: {  	_ =	shalt  }
0x7f: {  	_ =	shalt  }
0x80: {  	_ =	shalt  }
0x81: {  	_ =	shalt  }
0x82: {  	_ =	shalt  }
0x83: {  	_ =	shalt  }
0x84: {  	_ =	shalt  }
0x85: {  	_ =	shalt  }
0x86: {  	_ =	shalt  }
0x87: {  	_ =	shalt  }
.Lfunc_end0:
.L_simem_size_0:
called_computation.1_lowered:
.L_overlay_start_0:
0x88: {  	s2 =	sld [smem:$0x3FD9]  }
0x89: {  	s3 =	sld [smem:$0x3FFE];
	_ =	sdelay $0x1  }
0x8a: {  	s1 =	srdreg.scid  }
0x8b: {  	s0 =	sand.u32 $0x1, s1  }
0x8c: {  	s14 =	sshll.u32 s0, $0xA;
	s2 =	sadd.s32 s3, s2  }
0x8d: {  	s2 =	sadd.s32 s2, s14  }
0x8e: {  	[smem:$0x3FB7] =	sst s2  }
0x8f: {  	_ = 	snop  }
0x90: {  	s2 =	sld [smem:$0x3FD0];
	_ =	sdelay $0x2  }
0x91: {  	s15 =	simm.s32 $0xA;
	s4 =	simm.s32 $0x10  }
0x92: {  	[smem:s4], [sflag:s15] =	dma.local [hbm:s2], $0x1  }
0x93: {  	_ =	swait.eq [sflag:s15], $0x1  }
0x94: {  	[sflag:s15] =	ssyncset.done $0x0  }
0x95: {  	[sflag:s15] =	ssyncadd.s32 $0xFFFFFFFF  }
0x96: {  	s16 =	sld [smem:$0x11];
	(tm) =	ssettm $0x1  }
0x97: {  	s17 =	sld [smem:$0x3FFB];
	_ =	sdelay $0x3  }
0x98: {  	_ =	strace s17  }
0x99: {  	s3 =	sld [smem:$0x3FFC];
	_ =	sdelay $0x3  }
0x9a: {  	_ =	strace s3  }
0x9b: {  	s3 =	sld [smem:$0x3FFD];
	_ =	sdelay $0x3  }
0x9c: {  	_ =	strace s3  }
0x9d: {  	_ =	strace $0x8FFFFFFF  }
0x9e: {  	s18 =	sld [smem:$0x3FDB];
	_ =	sdelay $0x1  }
0x9f: {  	s19 =	simm.s32 $_scs_section_size  }
0xa0: {  	s5 =	simm.s32 $_size__tile_overlayer_lowered;
	s6 =	simm.s32 $_tile_overlayer_lowered  }
0xa1: {  	s22 =	simm.s32 $0x1BFF;
	s21 =	sshll.u32 s6, $0x1;
	s3 =	sadd.s32 s19, s18  }
0xa2: {  	s7 =	simm.s32 $0x0;
	s20 =	sshll.u32 s5, $0x1;
	s5 =	sadd.s32 s21, s3  }
0xa3: {  	[timem:s7], [sflag:s22] =	dma.local [hbm:s5], s20  }
0xa4: {  	_ =	swait.ge [sflag:s22], s20  }
0xa5: {  	s4 =	ssub.s32 $0x0, s20;
	[sflag:s22] =	ssyncset.done $0x0  }
0xa6: {  	[sflag:s22] =	ssyncadd.s32 s4;
	_ =	sdelay $0x1  }
0xa7: {  	s23 =	simm.s32 $0x1B8B  }
0xa8: {  	_ =	swait.ge [sflag:s23], $0x1  }
0xa9: {  	[sflag:s23] =	ssyncset.done $0x0  }
0xaa: {  	s25 =	simm.s32 $0x1B8E;
	s24 =	sld [smem:$0x3FFE];
	[sflag:s23] =	ssyncadd.s32 $0xFFFFFFFF  }
0xab: {  	s26 =	simm.s32 $execute0_lowered;
	[smem:$0x3FD2] =	sst s25  }
0xac: {  	s5 =	sshll.u32 s26, $0x1;
	_ =	strace $0x80000049;
	[dreg:$0x1] =	wrdreg $0xFFFFFFFF  }
0xad: {  	s28 =	simm.s32 $_size_execute0_lowered;
	s3 =	sadd.s32 s3, s5;
	[dreg:$0x0] =	wrdreg $0x0  }
0xae: {  	s5 =	sshll.u32 s28, $0x1;
	[dreg:$0x2] =	wrdreg s3  }
0xaf: {  	[dreg:$0x3] =	wrdreg s5  }
0xb0: {  	[dreg:$0x4] =	wrdreg $0xC0  }
0xb1: {  	_ =	task [dreg:s7], $0x5FFFF  }
0xb2: {  	[dreg:$0x1] =	wrdreg $0xFFFFFFFF  }
0xb3: {  	[dreg:$0x0] =	wrdreg $0x60  }
0xb4: {  	[dreg:$0x2] =	wrdreg s24  }
0xb5: {  	[dreg:$0x3] =	wrdreg s16  }
0xb6: {  	[dreg:$0x4] =	wrdreg $0xAD000  }
0xb7: {  	[dreg:$0x5] =	wrdreg $0x9  }
0xb8: {  	_ =	task.clear_ibuf [dreg:s7], $0x6FFFF;
	_ =	strace $0x90000049  }
0xb9: {  	s29 =	simm.s32 $0x9;
	_ =	strace $0x8000004B  }
0xba: {  	_ =	swait.ge [sflag:s29], $0x1  }
0xbb: {  	[sflag:s29] =	ssyncadd.s32 $0xFFFFFFFF  }
0xbc: {  	_ =	strace $0x9000004B  }
0xbd: {  	_ =	sfence  }
0xbe: {  	s30 =	sld [smem:$0x0];
	_ =	sdelay $0x2  }
0xbf: {  	s31 =	sshll.u32 s1, $0xD;
	s1 =	sshrl.u32 s1, $0x2  }
0xc0: {  	s3 =	sand.u32 $0x4000, s31;
	s1 =	sadd.s32 s1, s30  }
0xc1: {  	s0 =	sor.u32 s3, s0;
	s1 =	sshll.u32 s1, $0x11  }
0xc2: {  	s0 =	sor.u32 s1, s0  }
0xc3: {  	s0 =	sadd.s32 $0x8F2B, s0  }
0xc4: {  	[sflag:s0] =	ssyncadd.remote.s32 $0x1  }
0xc5: {  	_ =	sfence.sel $0xFFFF  }
0xc6: {  	[dreg:$0x0] =	wrdreg $0xFFFFFFFF;
	(pc) =	sbr.abs _section_cstart, $3  }
0xc7: {  	[dreg:$0x1] =	wrdreg $0xFFFFFFFF  }
0xc8: {  	_ =	task.clear_ibuf [dreg:s7], $0x2FFFF;
	_ =	strace $0x9FFFFFFF  }
0xc9: {  	(tm) =	ssettm $0x7FFFFFFF  }
tec
execute0_lowered:
.L_overlay_start_1:
0x0: {  	(tag) =	ssettag $0x1  }
0x1: {  	s8 =	rddreg [dreg:$0x0]  }
0x2: {  	s2 =	rddreg [dreg:$0x1]  }
0x3: {  	s3 =	rddreg [dreg:$0x2];
	s4 =	simm.s32 $0x0;
	s1 =	stileid.u32  }
0x4: {  	s5 =	srdreg.scid;
	s16 =	simm.s32 $0x80;
	s17 =	simm.s32 $0x70  }
0x5: {  	s18 =	simm.s32 $0x100;
	s19 =	simm.s32 $0x3900;
	s20 =	simm.s32 $0x1  }
0x6: {  	s21 =	simm.s32 $0x2;
	s22 =	simm.s32 $0x7100;
	s23 =	simm.s32 $0x0  }
0x7: {  	[smem:$0x7FF] =	sst s4;
	s10 =	sand.u32 $0x1, s5;
	s5 =	sadd.s32 $0x118C00, s8  }
0x8: {  	s9 =	smul.u32 $0x13C00, s1;
	s6 =	sadd.s32 $0x12CC00, s8;
	s7 =	sadd.s32 $0x7AC00, s8  }
0x9: {  	s13 =	smul.u32 $0x4F000, s1;
	s29 =	sshll.u32 s1, $0x1;
	s31 =	sshll.u32 s1, $0x6  }
0xa: {  	_ =	strace $0x8000004A;
	s11 =	smul.u32 $0x13C000, s10;
	s26 =	ssub.s32 $0x2, s10  }
0xb: {  	s10 =	sor.u32 s10, s29;
	s12 =	sshrl.u32 s9, $0x3;
	s28 =	sshrl.u32 s26, $0x1  }
0xc: {  	s30 =	sshrl.u32 s13, $0x2;
	s10 =	smul.u32 $0x4FA0, s10;
	s9 =	sadd.s32 s9, s11  }
0xd: {  	s12 =	sadd.s32 s12, s8;
	s13 =	sadd.s32 s30, s3;
	s9 =	sshrl.u32 s9, $0x3  }
0xe: {  	s15 =	ssub.s32 s26, s28;
	s13 =	sshrl.u32 s13, $0x3;
	s14 =	sadd.s32 s9, s8  }
0xf: {  	s8 =	sadd.s32 $0xA2400, s12;
	s9 =	sor.u32 $0x1C03, s31;
	s12 =	smax.u32 s15, $0x1  }
0x10: {  	v0 =	vimm.f32 $0.0e+00;
	s15 =	simm.s32 $0xA900;
	s11 =	sadd.s32 $0xC9C00, s14;
	s14 =	simm.s32 $0x3  }
.LBB2_1:
0x11: {  	[spmem:s13], [sflag:s9] =	dma.local [hbm:s8], $0x2780  }
0x12: {  	_ =	swait.ge [sflag:s14], $0x2780  }
0x13: {  	[sflag:s14] =	ssyncset.done $0x0  }
0x14: {  	[sflag:s14] =	ssyncadd.s32 $0xFFFFD880  }
0x15: {  	[tilespmem:s15], [sflag:$0x3] =	stream.linear.gather [hbm4b:s2+s4], $0x400, $0x38;
	[tilespmem:$0x1E900] =	vst v63  }
0x16: {  	_ =	swait.ge [sflag:s14], $0x400  }
0x17: {  	[sflag:s14] =	ssyncset.done $0x0  }
0x18: {  	[sflag:s14] =	ssyncadd.s32 $0xFFFFFC00  }
0x19: {  	s24 =	simm.s32 $0x0;
	v1 =	vld [tilespmem:$0xA900]  }
0x1a: {  	v2 =	vld [tilespmem:$0xA980];
	[tilespmem:s24+$0x7170] =	vst v0  }
0x1b: {  	[tilespmem:s24+$0x7120] =	vst v0  }
0x1c: {  	[tilespmem:s24+$0x7130] =	vst v0  }
0x1d: {  	[tilespmem:s24+$0x7140] =	vst v0  }
0x1e: {  	s25 =	simm.s32 $0x200;
	[tilespmem:s24+$0x7150] =	vst v0  }
.LBB2_2:
0x1f: {  	p0 =	sne.s32 s25, $0xDE00;
	[tilespmem:s24+$0x7160] =	vst v0;
	s24 =	sshra.s32 s25, $0x2;
	s25 =	sadd.s32 $0x200, s25  }
.Ltmp0:
0x20: {  	[tilespmem:s24+$0x7170] =	vst v0;
	(pc) =	sbr.rel @p0 .LBB2_2-.Ltmp0, $4  }
0x21: {  	[tilespmem:s24+$0x7120] =	vst v0  }
0x22: {  	[tilespmem:s24+$0x7130] =	vst v0  }
0x23: {  	[tilespmem:s24+$0x7140] =	vst v0  }
0x24: {  	[tilespmem:s24+$0x7150] =	vst v0  }
0x25: {  	v1 =	vadd.f32 v2, v1;
	_ =	sdelay $0x1  }
0x26: {  	v2 =	vmul.f32 $2.000000030e-01, v1  }
0x27: {  	[tilespmem:s24+$0x7160] =	vst v0;
	vm0 =	vgt.f32 v1, $0.0e+00  }
0x28: {  	s24 =	simm.s32 $0x0;
	s25 =	simm.s32 $0x0;
	[bflag:$0x0] =	sbarrier.arrive $0xFFFF;
	v1 =	vsel vm0, v1, v2  }
.LBB2_4:
0x29: {  	s26 =	smul.u32 $0x70, s25;
	_ =	sdelay $0x1  }
0x2a: {  	s26 =	sadd.s32 s10, s26  }
0x2b: {  	s26 =	sshrl.u32 s26, $0x3  }
0x2c: {  	s28 =	sadd.s32 s5, s26  }
0x2d: {  	[tilespmem:s24], [sflag:$0x3] =	stream.linear.gather [hbm4b:s28+s24], $0x70, $0x38;
	[tilespmem:$0x1E900] =	vst v63  }
0x2e: {  	_ =	swait.ge [sflag:s14], $0x70  }
0x2f: {  	[sflag:s14] =	ssyncset.done $0x0  }
0x30: {  	s26 =	sadd.s32 s6, s26;
	[sflag:s14] =	ssyncadd.s32 $0xFFFFFF90  }
0x31: {  	[tilespmem:s16], [sflag:$0x3] =	stream.linear.gather [hbm4b:s26+s24], $0x70, $0x38;
	[tilespmem:$0x1E900] =	vst v63  }
0x32: {  	_ =	swait.ge [sflag:s14], $0x70  }
0x33: {  	[sflag:s14] =	ssyncset.done $0x0  }
0x34: {  	[sflag:s14] =	ssyncadd.s32 $0xFFFFFF90  }
0x35: {  	[tilespmem:s18], [sflag:$0x1] =	stream.indirect.gather [hbm4b:s7+s17], $0x80, s24, s17, $0xb8;
	[tilespmem:$0x1E900] =	vst v63  }
0x36: {  	_ = 	snop  }
0x37: {  	[tilespmem:s19], [sflag:$0x2] =	stream.indirect.gather [hbm4b:s7+s17], $0x80, s16, s17, $0xb8;
	[tilespmem:$0x1E900] =	vst v63  }
0x38: {  	_ =	swait.ge [sflag:s20], $0x3800  }
0x39: {  	[sflag:s20] =	ssyncset.done $0x0  }
0x3a: {  	[sflag:s20] =	ssyncadd.s32 $0xFFFFC800  }
0x3b: {  	_ =	swait.ge [sflag:s21], $0x3800  }
0x3c: {  	[sflag:s21] =	ssyncset.done $0x0  }
0x3d: {  	s29 =	simm.s32 $0x0;
	[sflag:s21] =	ssyncadd.s32 $0xFFFFC800  }
0x3e: {  	v2 =	vld [tilespmem:s29+$0x1A0]  }
0x3f: {  	v3 =	vld [tilespmem:s29+$0x39B0];
	_ =	sdelay $0x4  }
0x40: {  	v2 =	vadd.f32 v3, v2  }
0x41: {  	v4 =	vld [tilespmem:s29+$0x120]  }
0x42: {  	v5 =	vld [tilespmem:s29+$0x3930];
	v6 =	vmul.f32 $2.000000030e-01, v2  }
0x43: {  	s26 =	simm.s32 $0x100;
	vm0 =	vgt.f32 v2, $0.0e+00  }
0x44: {  	v7 =	vld [tilespmem:s26+$0x39B0];
	v2 =	vsel vm0, v2, v6  }
0x45: {  	v3 =	vld [tilespmem:s26+$0x1A0];
	v12 =	vsub.f32 v2, v1  }
0x46: {  	v11 =	vld [tilespmem:s26+$0x120]  }
0x47: {  	v5 =	vadd.f32 v5, v4;
	v6 =	vld [tilespmem:s26+$0x3930];
	v12 =	vmul.f32 $1.442695020e+00, v12;
	_ =	sdelay $0x1  }
0x48: {  	v9 =	vld [tilespmem:s29+$0x100];
	(erf) = vpow2.f32 v12;
	v12 =	vmul.f32 $2.000000030e-01, v5  }
0x49: {  	v8 =	vld [tilespmem:s29+$0x110];
	vm14 =	vgt.f32 v5, $0.0e+00;
	v7 =	vadd.f32 v7, v3  }
0x4a: {  	s28 =	simm.s32 $0x200;
	v10 =	vld [tilespmem:s29+$0x180];
	v5 =	vsel vm14, v5, v12  }
0x4b: {  	v13 =	vld [tilespmem:s28+$0x1A0];
	v6 =	vadd.f32 v6, v11;
	v11 =	vmul.f32 $2.000000030e-01, v7;
	v5 =	vsub.f32 v5, v1  }
0x4c: {  	v14 =	vld [tilespmem:s28+$0x39B0];
	vm15 =	vgt.f32 v7, $0.0e+00  }
0x4d: {  	v17 =	vld [tilespmem:s28+$0x120];
	v7 =	vsel vm15, v7, v11;
	v11 =	vmul.f32 $1.442695020e+00, v5  }
0x4e: {  	v18 =	vld [tilespmem:s28+$0x3930]  }
0x4f: {  	v4 =	vld [tilespmem:s26+$0x110];
	(erf) = vpow2.f32 v11  }
0x50: {  	v2 =	vld [tilespmem:s26+$0x100];
	v12 =	vmul.f32 $2.000000030e-01, v6  }
0x51: {  	v3 =	vld [tilespmem:s26+$0x180];
	vm1 =	vgt.f32 v6, $0.0e+00;
	v7 =	vsub.f32 v7, v1  }
0x52: {  	v6 =	vsel vm1, v6, v12;
	v12 =	vld [tilespmem:s29+$0x190]  }
0x53: {  	v5 =	vld [tilespmem:s28+$0x100];
	v16 =	vsub.f32 v6, v1;
	v19 =	vmul.f32 $1.442695020e+00, v7  }
0x54: {  	v15 =	vadd.f32 v14, v13;
	v6 =	vld [tilespmem:s28+$0x110]  }
0x55: {  	s30 =	simm.s32 $0x300;
	v7 =	vld [tilespmem:s28+$0x180];
	v16 =	vmul.f32 $1.442695020e+00, v16;
	(erf) = vpow2.f32 v19  }
0x56: {  	s31 =	simm.s32 $0x1000;
	v14 =	vadd.f32 v18, v17;
	v17 =	vmul.f32 $2.000000030e-01, v15;
	v11 =	vld [tilespmem:s30+$0x1A0];
	v13 =	vpop (erf)  }
.LBB2_5:
0x57: {  	p0 =	sne.s32 s31, $0xDC00;
	v18 =	vld [tilespmem:s30+$0x39B0];
	vm0 =	vgt.f32 v15, $0.0e+00;
	(erf) = vpow2.f32 v16;
	v12 =	vmul.f32 v13, v12  }
0x58: {  	v19 =	vld [tilespmem:s30+$0x120];
	vm1 =	vgt.f32 v14, $0.0e+00;
	v16 =	vmul.f32 $2.000000030e-01, v14;
	v15 =	vsel vm0, v15, v17;
	v17 =	vpop (erf)  }
0x59: {  	v20 =	vld [tilespmem:s30+$0x3930];
	v15 =	vsub.f32 v15, v1;
	v21 =	vmul.f32 v17, v9;
	v17 =	vmul.f32 v17, v8;
	[tilespmem:s29+$0x7190] =	vst v12  }
.Ltmp1:
0x5a: {  	v13 =	vmul.f32 v13, v10;
	v9 =	vmovc v2;
	v2 =	vmovc v5;
	v8 =	vmov v4;
	v14 =	vsel vm1, v14, v16;
	v12 =	vld [tilespmem:s26+$0x190];
	(pc) =	sbr.rel @p0 .LBB2_5-.Ltmp1, $4  }
0x5b: {  	v10 =	vmovc v3;
	v4 =	vmovc v6;
	v3 =	vmov v7;
	v5 =	vld [tilespmem:s30+$0x100];
	v14 =	vsub.f32 v14, v1;
	v22 =	vmul.f32 $1.442695020e+00, v15;
	[tilespmem:s29+$0x7100] =	vst v21  }
0x5c: {  	v6 =	vld [tilespmem:s30+$0x110];
	v15 =	vadd.f32 v18, v11;
	[tilespmem:s29+$0x7110] =	vst v17  }
0x5d: {  	s0 =	sshra.s32 s31, $0x2;
	v7 =	vld [tilespmem:s30+$0x180];
	v16 =	vmul.f32 $1.442695020e+00, v14;
	(erf) = vpow2.f32 v22;
	[tilespmem:s29+$0x7180] =	vst v13;
	s29 =	smov.u32 s26;
	s26 =	smov.u32 s28  }
0x5e: {  	s31 =	sadd.s32 $0x400, s31;
	s28 =	smov.u32 s30;
	s30 =	smov.u32 s0;
	v11 =	vld [tilespmem:s0+$0x1A0];
	v14 =	vadd.f32 v20, v19;
	v17 =	vmul.f32 $2.000000030e-01, v15;
	v13 =	vpop (erf)  }
0x5f: {  	v18 =	vld [tilespmem:s30+$0x39B0]  }
0x60: {  	vm0 =	vgt.f32 v15, $0.0e+00;
	v12 =	vmul.f32 v13, v12;
	v19 =	vld [tilespmem:s30+$0x120]  }
0x61: {  	v49 =	vld [tilespmem:s30+$0x3930];
	v15 =	vsel vm0, v15, v17;
	v20 =	vpop (erf);
	(erf) = vpow2.f32 v16  }
0x62: {  	v15 =	vsub.f32 v15, v1;
	[tilespmem:s29+$0x7190] =	vst v12  }
0x63: {  	v12 =	vld [tilespmem:s26+$0x190]  }
0x64: {  	v50 =	vmul.f32 $2.000000030e-01, v14;
	vm14 =	vgt.f32 v14, $0.0e+00;
	v15 =	vmul.f32 $1.442695020e+00, v15  }
0x65: {  	v9 =	vmul.f32 v20, v9;
	v8 =	vmul.f32 v20, v8;
	v51 =	vadd.f32 v18, v11  }
0x66: {  	v52 =	vsel vm14, v14, v50;
	v54 =	vadd.f32 v49, v19;
	(erf) = vpow2.f32 v15  }
0x67: {  	v10 =	vmul.f32 v13, v10;
	v21 =	vld [tilespmem:s30+$0x100];
	[tilespmem:s29+$0x7100] =	vst v9;
	v11 =	vsub.f32 v52, v1;
	v55 =	vmul.f32 $2.000000030e-01, v51;
	v56 =	vpop (erf)  }
0x68: {  	v53 =	vld [tilespmem:s30+$0x110];
	[tilespmem:s29+$0x7110] =	vst v8;
	vm15 =	vgt.f32 v51, $0.0e+00;
	v17 =	vmul.f32 $2.000000030e-01, v54;
	v12 =	vmul.f32 v56, v12  }
0x69: {  	v57 =	vld [tilespmem:s30+$0x180];
	[tilespmem:s29+$0x7180] =	vst v10;
	vm1 =	vgt.f32 v54, $0.0e+00;
	v8 =	vsel vm15, v51, v55  }
0x6a: {  	v11 =	vmul.f32 $1.442695020e+00, v11;
	v58 =	vsel vm1, v54, v17;
	v8 =	vsub.f32 v8, v1;
	[tilespmem:s26+$0x7190] =	vst v12;
	v59 =	vpop (erf)  }
0x6b: {  	v9 =	vsub.f32 v58, v1;
	v10 =	vld [tilespmem:s28+$0x190];
	v2 =	vmul.f32 v59, v2  }
0x6c: {  	(erf) = vpow2.f32 v11;
	v8 =	vmul.f32 $1.442695020e+00, v8  }
0x6d: {  	v9 =	vmul.f32 $1.442695020e+00, v9  }
0x6e: {  	v3 =	vmul.f32 v56, v3;
	(erf) = vpow2.f32 v8  }
0x6f: {  	v4 =	vmul.f32 v59, v4;
	[tilespmem:s26+$0x7100] =	vst v2;
	v2 =	vpop (erf);
	(erf) = vpow2.f32 v9  }
0x70: {  	[tilespmem:s26+$0x7180] =	vst v3;
	v60 =	vmul.f32 v2, v10  }
0x71: {  	[tilespmem:s26+$0x7110] =	vst v4  }
0x72: {  	[tilespmem:s28+$0x7190] =	vst v60  }
0x73: {  	v3 =	vld [tilespmem:s30+$0x190];
	_ =	sdelay $0x1  }
0x74: {  	v2 =	vmul.f32 v2, v7;
	v61 =	vpop (erf)  }
0x75: {  	v5 =	vmul.f32 v61, v5  }
0x76: {  	v4 =	vmul.f32 v61, v6;
	[tilespmem:s28+$0x7180] =	vst v2;
	v62 =	vpop (erf)  }
0x77: {  	[tilespmem:s28+$0x7100] =	vst v5;
	v3 =	vmul.f32 v62, v3;
	v63 =	vpop (erf)  }
0x78: {  	[tilespmem:s28+$0x7110] =	vst v4;
	v2 =	vmul.f32 v63, v21  }
0x79: {  	v4 =	vmul.f32 v63, v53;
	[tilespmem:s30+$0x7190] =	vst v3  }
0x7a: {  	s25 =	sadd.s32 $0x1, s25;
	v3 =	vmul.f32 v62, v57;
	[tilespmem:s30+$0x7100] =	vst v2  }
0x7b: {  	p0 =	sne.s32 s25, $0xB6;
	[tilespmem:s30+$0x7110] =	vst v4  }
.Ltmp2:
0x7c: {  	[tilespmem:s30+$0x7180] =	vst v3;
	(pc) =	sbr.rel @p0 .LBB2_4-.Ltmp2, $4  }
0x7d: {  	[spmem:s3] =	stream.indirect.scatter.add.f32 [tilespmem:s22], [sflag:$0x3], $0x80, s16, s17, $0xb8;
	[tilespmem:$0x1E900] =	vst v63  }
0x7e: {  	_ =	swait.ge [sflag:s14], $0x3800  }
0x7f: {  	[sflag:s14] =	ssyncset.done $0x0  }
0x80: {  	[sflag:s14] =	ssyncadd.s32 $0xFFFFC800  }
0x81: {  	s23 =	sadd.s32 $0x1, s23  }
0x82: {  	p0 =	sne.s32 s23, s12  }
.Ltmp3:
0x83: {  	[bflag:$0x0] =	sbarrier.arrive $0xFFFF;
	(pc) =	sbr.rel @p0 .LBB2_1-.Ltmp3, $4  }
0x84: {  	[hbm:s11], [sflag:s9] =	dma.local [spmem:s13], $0x2780  }
0x85: {  	_ =	swait.ge [sflag:s14], $0x2780  }
0x86: {  	[sflag:s14] =	ssyncset.done $0x0  }
0x87: {  	[sflag:s14] =	ssyncadd.s32 $0xFFFFD880  }
0x88: {  	_ =	sfence.sel $0x180000  }
0x89: {  	[bflag:$0x0] =	sbarrier.arrive $0xFFFF  }
0x8a: {  	_ =	strace $0x9000004A  }
0x8b: {  	[bflag:$0x2] =	sbarrier.arrive $0xFFFF  }
0x8c: {  	p0 =	sne.s32 s1, $0x0;
	s0 =	rddreg [dreg:$0x3]  }
0x8d: {  	s0 =	sadd.s32 @!p0 $0x100000, s0  }
0x8e: {  	[sflag:s0] =	ssyncadd.tile.s32 @!p0 $0x1;
	_ =	shalt  }
.Lfunc_end2:
_tile_overlayer_lowered:
.L_overlay_start_2:
0x8f: {  	(tag) =	ssettag $0x2  }
0x90: {  	s0 =	rddreg [dreg:$0x0];
	s2 =	stileid.u32  }
0x91: {  	s1 =	rddreg [dreg:$0x1];
	p0 =	sne.s32 s2, $0x0  }
0x92: {  	s3 =	rddreg [dreg:$0x2];
	[bflag:$0x3] =	sbarrier.arrive $0xFFFF;
	s2 =	simm.s32 @!p0 $0x1C03  }
0x93: {  	[timem:s3], [sflag:s2] =	dma.local @!p0 [hbm:s0], s1  }
0x94: {  	s0 =	simm.s32 @!p0 $0x3  }
0x95: {  	_ =	swait.ge @!p0 [sflag:s0], s1  }
0x96: {  	s1 =	ssub.s32 @!p0 $0x0, s1;
	[sflag:s0] =	ssyncset.done @!p0 $0x0  }
0x97: {  	[sflag:s0] =	ssyncadd.s32 @!p0 s1  }
0x98: {  	[bflag:$0x3] =	sbarrier.arrive $0xFFFF  }
0x99: {  	_ =	shalt  }

// kernel: kernel.7.cloned.1.call-start
scs
__scs_entry_jumppad:
0x0: {  	(pc) =	sbr.rel $0x88, $3  }
0x1: {  	(tag) =	ssettag $0x0;
	lr =	simm.s32 $0x1  }
0x2: {  	[smem:$0x3F90] =	sst lr;
	_ =	strace $0xD0000000  }
0x3: {  	_ = 	snop  }
0x4: {  	_ = 	snop  }
0x5: {  	_ = 	snop  }
0x6: {  	_ = 	snop  }
0x7: {  	_ = 	snop  }
__scs_overlays_trampoline_lowered:
0x8: {  	[smem:$0x3F9F] =	sst s0  }
0x9: {  	[smem:$0x3FA0] =	sst s1  }
0xa: {  	[smem:$0x3FA1] =	sst s2  }
0xb: {  	[smem:$0x3FA2] =	sst s3  }
0xc: {  	[smem:$0x3FA3] =	sst s4  }
0xd: {  	[smem:$0x3FA4] =	sst s5  }
0xe: {  	[smem:$0x3FA5] =	sst s6  }
0xf: {  	[smem:$0x3FA6] =	sst s7  }
0x10: {  	[smem:$0x3FA7] =	sst s8  }
0x11: {  	[smem:$0x3FA8] =	sst s9;
	s0 =	simm.s32 @!p0 $0x0  }
0x12: {  	s1 =	sld [smem:$0x3F8E];
	s0 =	simm.s32 @p0 $0x1  }
0x13: {  	[smem:$0x3FA9] =	sst s0;
	s0 =	simm.s32 @!p1 $0x0  }
0x14: {  	s2 =	sld [smem:$0x3F8D];
	s0 =	simm.s32 @p1 $0x1  }
0x15: {  	[smem:$0x3FAA] =	sst s0;
	s0 =	simm.s32 @!p2 $0x0  }
0x16: {  	s3 =	sld [smem:$0x3FDB];
	s0 =	simm.s32 @p2 $0x1  }
0x17: {  	s4 =	simm.s32 $0x1BF5;
	[smem:$0x3FAC] =	sst s0  }
0x18: {  	s0 =	sld [smem:$0x3F8F];
	_ =	swait.ge [sflag:s4], $0x0  }
0x19: {  	s7 =	sld [smem:$0x3F90]  }
0x1a: {  	s8 =	sadd.s32 $0xFFFFE003, lr  }
0x1b: {  	s9 =	sadd.s32 $0xFFFFFEF7, lr;
	s5 =	simm.s32 $0xFFFFFFFF;
	p2 =	slt.u32 s8, $0xFFFFF086  }
0x1c: {  	p1 =	slt.u32 s9, $0xF7A;
	s5 =	simm.s32 @!p2 $0x0  }
0x1d: {  	s5 =	simm.s32 @p1 $0x1;
	p0 =	seq.s32 s7, s2  }
0x1e: {  	s7 =	smul.u32 @!p0 $0xF7A, s2;
	p2 =	seq.s32 @!p0 s5, $0x0  }
0x1f: {  	s9 =	smul.u32 $0xF7A, s1;
	s8 =	simm.s32 @!p0 $0x1BF5;
	p2 =	por !p2, p0  }
0x20: {  	[sflag:s8] =	ssyncset.s32 @!p0 $0xFFFFF086;
	s6 =	sadd.s32 @!p0 s3, s7;
	s7 =	simm.s32 @!p0 $0x108  }
0x21: {  	s3 =	sadd.s32 s3, s9;
	s6 =	sadd.s32 @!p0 $0x88, s6;
	s7 =	simm.s32 @p2 $0x1082  }
0x22: {  	[simem:s7], [sflag:s8] =	dma.local @!p0 [hbm:s6], $0xF7A  }
0x23: {  	s9 =	sor.u32 $0xD0000000, s2;
	s6 =	simm.s32 $0x108;
	_ =	swait.ge @!p0 [sflag:s8], $0x0  }
0x24: {  	s3 =	sadd.s32 $0x88, s3;
	s6 =	simm.s32 @!p1 $0x1082;
	[sflag:s4] =	ssyncset.s32 $0xFFFFF086  }
0x25: {  	[simem:s6], [sflag:s4] =	dma.local [hbm:s3], $0xF7A  }
0x26: {  	[smem:$0x3F90] =	sst s1;
	(tag) =	ssettag s2;
	_ =	strace s9  }
0x27: {  	s1 =	sld [smem:$0x3FA0]  }
0x28: {  	s2 =	sld [smem:$0x3FA1]  }
0x29: {  	s4 =	sld [smem:$0x3FA3]  }
0x2a: {  	p0 =	seq.s32 s5, $0x0;
	s5 =	sld [smem:$0x3FA4]  }
0x2b: {  	s6 =	sld [smem:$0x3FA5]  }
0x2c: {  	s7 =	sld [smem:$0x3FA6]  }
0x2d: {  	s3 =	simm.s32 $0x108;
	s8 =	sld [smem:$0x3FA7]  }
0x2e: {  	s3 =	simm.s32 @!p0 $0x1082;
	s9 =	sld [smem:$0x3FA8]  }
0x2f: {  	lr =	sadd.s32 s0, s3;
	s0 =	sld [smem:$0x3F9F]  }
0x30: {  	s3 =	sld [smem:$0x3FA2]  }
0x31: {  	[smem:$0x3FAB] =	sst s10  }
0x32: {  	s10 =	sld [smem:$0x3FA9];
	_ =	sdelay $0x3  }
0x33: {  	p0 =	seq.s32 s10, $0x1;
	s10 =	sld [smem:$0x3FAB];
	_ =	sdelay $0x3  }
0x34: {  	[smem:$0x3FAB] =	sst s10  }
0x35: {  	s10 =	sld [smem:$0x3FAA];
	_ =	sdelay $0x3  }
0x36: {  	p1 =	seq.s32 s10, $0x1;
	s10 =	sld [smem:$0x3FAB];
	_ =	sdelay $0x3  }
0x37: {  	[smem:$0x3FAB] =	sst s10  }
0x38: {  	s10 =	sld [smem:$0x3FAC]  }
0x39: {  	_ = 	snop;
	(pc) =	sbr.ind lr, $3  }
0x3a: {  	_ = 	snop  }
0x3b: {  	_ = 	snop  }
0x3c: {  	p2 =	seq.s32 s10, $0x1;
	s10 =	sld [smem:$0x3FAB]  }
0x3d: {  	_ =	shalt  }
0x3e: {  	_ =	shalt  }
0x3f: {  	_ =	shalt  }
0x40: {  	_ =	shalt  }
0x41: {  	_ =	shalt  }
0x42: {  	_ =	shalt  }
0x43: {  	_ =	shalt  }
0x44: {  	_ =	shalt  }
0x45: {  	_ =	shalt  }
0x46: {  	_ =	shalt  }
0x47: {  	_ =	shalt  }
0x48: {  	_ =	shalt  }
0x49: {  	_ =	shalt  }
0x4a: {  	_ =	shalt  }
0x4b: {  	_ =	shalt  }
0x4c: {  	_ =	shalt  }
0x4d: {  	_ =	shalt  }
0x4e: {  	_ =	shalt  }
0x4f: {  	_ =	shalt  }
0x50: {  	_ =	shalt  }
0x51: {  	_ =	shalt  }
0x52: {  	_ =	shalt  }
0x53: {  	_ =	shalt  }
0x54: {  	_ =	shalt  }
0x55: {  	_ =	shalt  }
0x56: {  	_ =	shalt  }
0x57: {  	_ =	shalt  }
0x58: {  	_ =	shalt  }
0x59: {  	_ =	shalt  }
0x5a: {  	_ =	shalt  }
0x5b: {  	_ =	shalt  }
0x5c: {  	_ =	shalt  }
0x5d: {  	_ =	shalt  }
0x5e: {  	_ =	shalt  }
0x5f: {  	_ =	shalt  }
0x60: {  	_ =	shalt  }
0x61: {  	_ =	shalt  }
0x62: {  	_ =	shalt  }
0x63: {  	_ =	shalt  }
0x64: {  	_ =	shalt  }
0x65: {  	_ =	shalt  }
0x66: {  	_ =	shalt  }
0x67: {  	_ =	shalt  }
0x68: {  	_ =	shalt  }
0x69: {  	_ =	shalt  }
0x6a: {  	_ =	shalt  }
0x6b: {  	_ =	shalt  }
0x6c: {  	_ =	shalt  }
0x6d: {  	_ =	shalt  }
0x6e: {  	_ =	shalt  }
0x6f: {  	_ =	shalt  }
0x70: {  	_ =	shalt  }
0x71: {  	_ =	shalt  }
0x72: {  	_ =	shalt  }
0x73: {  	_ =	shalt  }
0x74: {  	_ =	shalt  }
0x75: {  	_ =	shalt  }
0x76: {  	_ =	shalt  }
0x77: {  	_ =	shalt  }
0x78: {  	_ =	shalt  }
0x79: {  	_ =	shalt  }
0x7a: {  	_ =	shalt  }
0x7b: {  	_ =	shalt  }
0x7c: {  	_ =	shalt  }
0x7d: {  	_ =	shalt  }
0x7e: {  	_ =	shalt  }
0x7f: {  	_ =	shalt  }
0x80: {  	_ =	shalt  }
0x81: {  	_ =	shalt  }
0x82: {  	_ =	shalt  }
0x83: {  	_ =	shalt  }
0x84: {  	_ =	shalt  }
0x85: {  	_ =	shalt  }
0x86: {  	_ =	shalt  }
0x87: {  	_ =	shalt  }
.Lfunc_end0:
.L_simem_size_0:
called_computation_lowered:
.L_overlay_start_0:
0x88: {  	s2 =	sld [smem:$0x3FD9]  }
0x89: {  	s3 =	sld [smem:$0x3FFE];
	_ =	sdelay $0x1  }
0x8a: {  	s1 =	srdreg.scid  }
0x8b: {  	s0 =	sand.u32 $0x1, s1  }
0x8c: {  	s14 =	sshll.u32 s0, $0xA;
	s2 =	sadd.s32 s3, s2  }
0x8d: {  	s2 =	sadd.s32 s2, s14  }
0x8e: {  	[smem:$0x3FB7] =	sst s2  }
0x8f: {  	_ = 	snop  }
0x90: {  	s2 =	sld [smem:$0x3FD0];
	_ =	sdelay $0x2  }
0x91: {  	s15 =	simm.s32 $0xA;
	s4 =	simm.s32 $0x10  }
0x92: {  	[smem:s4], [sflag:s15] =	dma.local [hbm:s2], $0x1  }
0x93: {  	_ =	swait.eq [sflag:s15], $0x1  }
0x94: {  	s16 =	sld [smem:$0x14];
	[sflag:s15] =	ssyncset.done $0x0  }
0x95: {  	s17 =	sld [smem:$0x16];
	[sflag:s15] =	ssyncadd.s32 $0xFFFFFFFF  }
0x96: {  	s18 =	sld [smem:$0x17];
	(tm) =	ssettm $0x1  }
0x97: {  	s5 =	sld [smem:$0x3FFB];
	_ =	sdelay $0x3  }
0x98: {  	_ =	strace s5  }
0x99: {  	s5 =	sld [smem:$0x3FFC];
	_ =	sdelay $0x3  }
0x9a: {  	_ =	strace s5  }
0x9b: {  	s5 =	sld [smem:$0x3FFD];
	_ =	sdelay $0x3  }
0x9c: {  	_ =	strace s5  }
0x9d: {  	_ =	strace $0x8FFFFFFF  }
0x9e: {  	s19 =	sld [smem:$0x3FDB];
	_ =	sdelay $0x1  }
0x9f: {  	s6 =	simm.s32 $_scs_section_size  }
0xa0: {  	s7 =	simm.s32 $_size__tile_overlayer_lowered;
	s8 =	simm.s32 $_tile_overlayer_lowered  }
0xa1: {  	s22 =	simm.s32 $0x1BFF;
	s21 =	sshll.u32 s8, $0x1;
	s5 =	sadd.s32 s6, s19  }
0xa2: {  	s9 =	simm.s32 $0x0;
	s20 =	sshll.u32 s7, $0x1;
	s7 =	sadd.s32 s21, s5  }
0xa3: {  	[timem:s9], [sflag:s22] =	dma.local [hbm:s7], s20  }
0xa4: {  	_ =	swait.ge [sflag:s22], s20  }
0xa5: {  	s6 =	ssub.s32 $0x0, s20;
	[sflag:s22] =	ssyncset.done $0x0  }
0xa6: {  	[sflag:s22] =	ssyncadd.s32 s6;
	_ =	sdelay $0x1  }
0xa7: {  	s23 =	simm.s32 $0x1B8B  }
0xa8: {  	_ =	swait.ge [sflag:s23], $0x1  }
0xa9: {  	[sflag:s23] =	ssyncset.done $0x0  }
0xaa: {  	s25 =	simm.s32 $0x1B8E;
	s24 =	sld [smem:$0x3FFE];
	[sflag:s23] =	ssyncadd.s32 $0xFFFFFFFF  }
0xab: {  	s26 =	simm.s32 $execute0_lowered;
	[smem:$0x3FD2] =	sst s25  }
0xac: {  	s7 =	sshll.u32 s26, $0x1;
	_ =	strace $0x80000046;
	[dreg:$0x1] =	wrdreg $0xFFFFFFFF  }
0xad: {  	s28 =	simm.s32 $_size_execute0_lowered;
	s5 =	sadd.s32 s5, s7;
	[dreg:$0x0] =	wrdreg $0x0  }
0xae: {  	s7 =	sshll.u32 s28, $0x1;
	[dreg:$0x2] =	wrdreg s5  }
0xaf: {  	[dreg:$0x3] =	wrdreg s7  }
0xb0: {  	[dreg:$0x4] =	wrdreg $0xC0  }
0xb1: {  	_ =	task [dreg:s9], $0x5FFFF  }
0xb2: {  	[dreg:$0x1] =	wrdreg $0xFFFFFFFF  }
0xb3: {  	[dreg:$0x0] =	wrdreg $0x60  }
0xb4: {  	[dreg:$0x2] =	wrdreg s18  }
0xb5: {  	[dreg:$0x3] =	wrdreg s17  }
0xb6: {  	[dreg:$0x4] =	wrdreg s24  }
0xb7: {  	[dreg:$0x5] =	wrdreg s16  }
0xb8: {  	[dreg:$0x6] =	wrdreg $0xAD800  }
0xb9: {  	[dreg:$0x7] =	wrdreg $0x9  }
0xba: {  	_ =	task.clear_ibuf [dreg:s9], $0x8FFFF;
	_ =	strace $0x90000046  }
0xbb: {  	s29 =	simm.s32 $0x9;
	_ =	strace $0x80000048  }
0xbc: {  	_ =	swait.ge [sflag:s29], $0x1  }
0xbd: {  	[sflag:s29] =	ssyncadd.s32 $0xFFFFFFFF  }
0xbe: {  	_ =	strace $0x90000048  }
0xbf: {  	_ =	sfence  }
0xc0: {  	s30 =	sld [smem:$0x0];
	_ =	sdelay $0x2  }
0xc1: {  	s31 =	sshll.u32 s1, $0xD;
	s1 =	sshrl.u32 s1, $0x2  }
0xc2: {  	s3 =	sand.u32 $0x4000, s31;
	s1 =	sadd.s32 s1, s30  }
0xc3: {  	s0 =	sor.u32 s3, s0;
	s1 =	sshll.u32 s1, $0x11  }
0xc4: {  	s0 =	sor.u32 s1, s0  }
0xc5: {  	s0 =	sadd.s32 $0x8F2B, s0  }
0xc6: {  	[sflag:s0] =	ssyncadd.remote.s32 $0x1  }
0xc7: {  	_ =	sfence.sel $0xFFFF  }
0xc8: {  	[dreg:$0x0] =	wrdreg $0xFFFFFFFF;
	(pc) =	sbr.abs _section_cstart, $3  }
0xc9: {  	[dreg:$0x1] =	wrdreg $0xFFFFFFFF  }
0xca: {  	_ =	task.clear_ibuf [dreg:s9], $0x2FFFF;
	_ =	strace $0x9FFFFFFF  }
0xcb: {  	(tm) =	ssettm $0x7FFFFFFF  }
tec
execute0_lowered:
.L_overlay_start_1:
0x0: {  	(tag) =	ssettag $0x1  }
0x1: {  	s1 =	rddreg [dreg:$0x0]  }
0x2: {  	s2 =	rddreg [dreg:$0x1]  }
0x3: {  	s8 =	rddreg [dreg:$0x2]  }
0x4: {  	s4 =	rddreg [dreg:$0x3]  }
0x5: {  	s5 =	rddreg [dreg:$0x4]  }
0x6: {  	s0 =	rddreg [dreg:$0x5];
	s3 =	stileid.u32  }
0x7: {  	s7 =	srdreg.scid;
	s6 =	simm.s32 $0x0;
	s16 =	simm.s32 $0x80  }
0x8: {  	s17 =	simm.s32 $0x70;
	s18 =	simm.s32 $0x100;
	s19 =	simm.s32 $0x3900  }
0x9: {  	vm1 =	vcmask $0x2700;
	v1 =	vimm.s32 $0x1;
	s20 =	simm.s32 $0x1;
	s21 =	simm.s32 $0x2;
	s22 =	simm.s32 $0x7100  }
0xa: {  	v0 =	vimm.f32 $0.0e+00;
	v2 =	vimm.s32 $0x5050404;
	vm0 =	vcmask $0xF00;
	s23 =	simm.s32 $0x7180;
	s24 =	simm.s32 $0x0;
	s9 =	smul.u32 $0x13C00, s3  }
0xb: {  	v3 =	vimm.s32 $0x3;
	vm3 =	vcmask $0x3710;
	v4 =	vlaneseq.u32;
	s10 =	sand.u32 $0x1, s7;
	[smem:$0x7FF] =	sst s6;
	s7 =	sadd.s32 $0x7AC00, s8  }
0xc: {  	vm2 =	vcmask $0x2F10;
	v5 =	vimm.s32 $0x11;
	v7 =	vimm.s32 $0x15151414;
	s14 =	smul.u32 $0x4F000, s3;
	s29 =	sshll.u32 s3, $0x1;
	s31 =	sshll.u32 s3, $0x6  }
0xd: {  	v6 =	vimm.s32 $0x13;
	vm15 =	vcmask $0x1700;
	v10 =	vimm.s32 $0x17;
	s11 =	smul.u32 $0x13C000, s10;
	_ =	strace $0x80000047;
	s28 =	ssub.s32 $0x2, s10  }
0xe: {  	v1 =	vsel vm1, $0x0, v1;
	v2 =	vunpack.c.0.s8.s32 v2;
	v3 =	vsel vm0, $0x1, v3;
	s10 =	sor.u32 s10, s29;
	s12 =	sshrl.u32 s9, $0x3;
	s13 =	sshrl.u32 s28, $0x1  }
0xf: {  	v8 =	vshrl.u32 v4, $0x3;
	v5 =	vsel vm1, $0x10, v5;
	v6 =	vsel vm0, $0x11, v6;
	s30 =	sshrl.u32 s14, $0x2;
	s10 =	smul.u32 $0x4FA0, s10;
	s9 =	sadd.s32 s9, s11  }
0x10: {  	v9 =	vunpack.c.0.s8.s32 v7;
	v7 =	vimm.s32 $0x7;
	v10 =	vsel vm15, $0x16, v10;
	s12 =	sadd.s32 s12, s8;
	s13 =	ssub.s32 s28, s13;
	s9 =	sshrl.u32 s9, $0x3  }
0x11: {  	v6 =	vsel vm3, $0x12, v6;
	v7 =	vsel vm15, $0x6, v7;
	v4 =	vnsel vm0, $0x6, v2;
	s14 =	sadd.s32 s30, s5;
	s15 =	sadd.s32 s9, s8;
	s8 =	sadd.s32 $0xA2400, s12  }
0x12: {  	v2 =	vsel vm3, $0x2, v3;
	v3 =	vadd.s32 $0x3, v8;
	v9 =	vnsel vm0, $0x16, v9;
	s9 =	sor.u32 $0x1C03, s31;
	s12 =	smax.u32 s13, $0x1;
	s13 =	sshrl.u32 s14, $0x3  }
0x13: {  	v8 =	vadd.s32 $0x13, v8;
	v4 =	vsel vm2, $0x5, v4;
	v9 =	vsel vm2, $0x15, v9;
	s14 =	simm.s32 $0x3;
	s11 =	sadd.s32 $0xC9C00, s15;
	s15 =	simm.s32 $0xA980  }
.LBB2_1:
0x14: {  	[spmem:s13], [sflag:s9] =	dma.local [hbm:s8], $0x2780  }
0x15: {  	_ =	swait.ge [sflag:s14], $0x2780  }
0x16: {  	[sflag:s14] =	ssyncset.done $0x0  }
0x17: {  	[sflag:s14] =	ssyncadd.s32 $0xFFFFD880  }
0x18: {  	[tilespmem:s15], [sflag:$0x3] =	stream.linear.gather [hbm4b:s4+s6], $0x400, $0x38;
	[tilespmem:$0x1E980] =	vst v63  }
0x19: {  	_ =	swait.ge [sflag:s14], $0x400  }
0x1a: {  	[sflag:s14] =	ssyncset.done $0x0  }
0x1b: {  	[sflag:s14] =	ssyncadd.s32 $0xFFFFFC00  }
0x1c: {  	v11 =	vld [tilespmem:$0xA980]  }
0x1d: {  	s26 =	simm.s32 $0x200;
	s25 =	simm.s32 $0x0;
	v12 =	vld [tilespmem:$0xAA00]  }
.LBB2_2:
0x1e: {  	p0 =	sne.s32 s26, $0xDE00;
	[tilespmem:s25+$0x71F0] =	vst v0;
	s28 =	smov.u32 s26;
	s26 =	sadd.s32 $0x200, s26  }
.Ltmp0:
0x1f: {  	[tilespmem:s25+$0x71D0] =	vst v0;
	(pc) =	sbr.rel @p0 .LBB2_2-.Ltmp0, $2  }
0x20: {  	[tilespmem:s25+$0x71E0] =	vst v0;
	_ =	sdelay $0x2  }
0x21: {  	s25 =	sshra.s32 s28, $0x2  }
0x22: {  	v11 =	vadd.f32 v12, v11  }
0x23: {  	[tilespmem:s25+$0x71F0] =	vst v0  }
0x24: {  	[tilespmem:s25+$0x71D0] =	vst v0;
	v12 =	vmul.f32 $2.000000030e-01, v11  }
0x25: {  	[tilespmem:s25+$0x71E0] =	vst v0;
	vm0 =	vgt.f32 v11, $0.0e+00  }
0x26: {  	s25 =	simm.s32 $0x0;
	s26 =	simm.s32 $0x0;
	[bflag:$0x0] =	sbarrier.arrive $0xFFFF;
	v11 =	vsel vm0, v11, v12  }
.LBB2_4:
0x27: {  	s28 =	smul.u32 $0x70, s26;
	_ =	sdelay $0x1  }
0x28: {  	s28 =	sadd.s32 s10, s28  }
0x29: {  	s28 =	sshrl.u32 s28, $0x3  }
0x2a: {  	s29 =	sadd.s32 s1, s28  }
0x2b: {  	[tilespmem:s25], [sflag:$0x3] =	stream.linear.gather [hbm4b:s29+s25], $0x70, $0x38;
	[tilespmem:$0x1E980] =	vst v63  }
0x2c: {  	_ =	swait.ge [sflag:s14], $0x70  }
0x2d: {  	[sflag:s14] =	ssyncset.done $0x0  }
0x2e: {  	s28 =	sadd.s32 s2, s28;
	[sflag:s14] =	ssyncadd.s32 $0xFFFFFF90  }
0x2f: {  	[tilespmem:s16], [sflag:$0x3] =	stream.linear.gather [hbm4b:s28+s25], $0x70, $0x38;
	[tilespmem:$0x1E980] =	vst v63  }
0x30: {  	_ =	swait.ge [sflag:s14], $0x70  }
0x31: {  	[sflag:s14] =	ssyncset.done $0x0  }
0x32: {  	[sflag:s14] =	ssyncadd.s32 $0xFFFFFF90  }
0x33: {  	[tilespmem:s18], [sflag:$0x1] =	stream.indirect.gather [hbm4b:s7+s17], $0x80, s25, s17, $0xb8;
	[tilespmem:$0x1E980] =	vst v63  }
0x34: {  	_ = 	snop  }
0x35: {  	[tilespmem:s19], [sflag:$0x2] =	stream.indirect.gather [hbm4b:s7+s17], $0x80, s16, s17, $0xb8;
	[tilespmem:$0x1E980] =	vst v63  }
0x36: {  	_ =	swait.ge [sflag:s20], $0x3800  }
0x37: {  	[sflag:s20] =	ssyncset.done $0x0  }
0x38: {  	[sflag:s20] =	ssyncadd.s32 $0xFFFFC800  }
0x39: {  	_ =	swait.ge [sflag:s21], $0x3800  }
0x3a: {  	[sflag:s21] =	ssyncset.done $0x0  }
0x3b: {  	s29 =	simm.s32 $0x0;
	[sflag:s21] =	ssyncadd.s32 $0xFFFFC800  }
0x3c: {  	v12 =	vld [tilespmem:s29+$0x150]  }
0x3d: {  	v13 =	vld [tilespmem:s29+$0x3960];
	_ =	sdelay $0x4  }
0x3e: {  	v12 =	vadd.f32 v13, v12;
	_ =	sdelay $0x1  }
0x3f: {  	v13 =	vmul.f32 $2.000000030e-01, v12  }
0x40: {  	vm0 =	vgt.f32 v12, $0.0e+00  }
0x41: {  	v12 =	vsel vm0, v12, v13  }
0x42: {  	v12 =	vsub.f32 v12, v11;
	_ =	sdelay $0x1  }
0x43: {  	v12 =	vmul.f32 $1.442695020e+00, v12;
	_ =	sdelay $0x1  }
0x44: {  	(erf) = vpow2.f32 v12;
	_ =	sdelay $0x8  }
0x45: {  	v12 =	vpop (erf)  }
0x46: {  	s30 =	simm.s32 $0x800;
	s28 =	simm.s32 $0x100;
	[tilespmem:$0x7100] =	vst v12  }
.LBB2_5:
0x47: {  	p0 =	sne.s32 s30, $0xDC00;
	v12 =	vld.idx.msk [tilespmem:v1+s22+$0x0], $0xffff;
	s31 =	smov.u32 s30;
	s30 =	sadd.s32 $0x400, s30  }
0x48: {  	v13 =	vld [tilespmem:s29+$0x100];
	_ =	sdelay $0x4  }
0x49: {  	v12 =	vmul.f32 v12, v13;
	_ =	sdelay $0x1  }
0x4a: {  	[tilespmem:s29+$0x7180] =	vst v12  }
0x4b: {  	v12 =	vld.idx.msk [tilespmem:v2+s22+$0x0], $0xffff  }
0x4c: {  	v13 =	vld [tilespmem:s29+$0x110];
	_ =	sdelay $0x4  }
0x4d: {  	v12 =	vmul.f32 v12, v13;
	v13 =	vld [tilespmem:s29+$0x39E0]  }
0x4e: {  	v14 =	vld [tilespmem:s29+$0x1D0]  }
0x4f: {  	[tilespmem:s29+$0x7190] =	vst v12;
	v12 =	vld [tilespmem:s29+$0x140]  }
0x50: {  	v15 =	vld.idx.msk [tilespmem:v3+s22+$0x0], $0xffff  }
0x51: {  	v16 =	vld [tilespmem:s29+$0x120]  }
0x52: {  	v17 =	vld [tilespmem:s29+$0x130]  }
0x53: {  	v13 =	vadd.f32 v13, v14;
	_ =	sdelay $0x1  }
0x54: {  	vm0 =	vgt.f32 v13, $0.0e+00;
	v14 =	vmul.f32 $2.000000030e-01, v13  }
0x55: {  	v15 =	vmul.f32 v15, v16  }
0x56: {  	v13 =	vsel vm0, v13, v14  }
0x57: {  	[tilespmem:s29+$0x71A0] =	vst v15;
	v13 =	vsub.f32 v13, v11  }
0x58: {  	v14 =	vld.idx.msk [tilespmem:v4+s22+$0x0], $0xffff  }
0x59: {  	v13 =	vmul.f32 $1.442695020e+00, v13;
	_ =	sdelay $0x4  }
0x5a: {  	v14 =	vmul.f32 v14, v17  }
0x5b: {  	(erf) = vpow2.f32 v13  }
0x5c: {  	[tilespmem:s29+$0x71B0] =	vst v14  }
0x5d: {  	v13 =	vld.idx.msk [tilespmem:v7+s22+$0x0], $0xffff;
	_ =	sdelay $0x5  }
0x5e: {  	v12 =	vmul.f32 v13, v12  }
0x5f: {  	v13 =	vpop (erf)  }
0x60: {  	[tilespmem:s29+$0x71C0] =	vst v12  }
0x61: {  	[tilespmem:$0x7110] =	vst v13  }
0x62: {  	v12 =	vld.idx.msk [tilespmem:v5+s22+$0x0], $0xffff  }
0x63: {  	v13 =	vld [tilespmem:s29+$0x180]  }
0x64: {  	v14 =	vld [tilespmem:s29+$0x1A0]  }
0x65: {  	v15 =	vld [tilespmem:s29+$0x190]  }
0x66: {  	v16 =	vld [tilespmem:s29+$0x1B0]  }
0x67: {  	v17 =	vld [tilespmem:s29+$0x1C0]  }
0x68: {  	v12 =	vmul.f32 v12, v13;
	_ =	sdelay $0x1  }
0x69: {  	[tilespmem:s29+$0x7200] =	vst v12  }
0x6a: {  	v12 =	vld.idx.msk [tilespmem:v6+s22+$0x0], $0xffff;
	_ =	sdelay $0x5  }
0x6b: {  	v12 =	vmul.f32 v12, v15;
	_ =	sdelay $0x1  }
0x6c: {  	[tilespmem:s29+$0x7210] =	vst v12  }
0x6d: {  	v12 =	vld.idx.msk [tilespmem:v8+s22+$0x0], $0xffff;
	_ =	sdelay $0x1  }
0x6e: {  	v13 =	vld [tilespmem:s28+$0x150]  }
0x6f: {  	v15 =	vld [tilespmem:s28+$0x3960]  }
0x70: {  	s31 =	sshra.s32 s31, $0x2;
	_ =	sdelay $0x1  }
0x71: {  	v12 =	vmul.f32 v12, v14;
	_ =	sdelay $0x1  }
0x72: {  	v13 =	vadd.f32 v15, v13;
	[tilespmem:s29+$0x7220] =	vst v12  }
0x73: {  	v12 =	vld.idx.msk [tilespmem:v9+s22+$0x0], $0xffff  }
0x74: {  	v14 =	vmul.f32 $2.000000030e-01, v13  }
0x75: {  	vm0 =	vgt.f32 v13, $0.0e+00  }
0x76: {  	v13 =	vsel vm0, v13, v14  }
0x77: {  	v13 =	vsub.f32 v13, v11;
	_ =	sdelay $0x1  }
0x78: {  	v12 =	vmul.f32 v12, v16;
	v13 =	vmul.f32 $1.442695020e+00, v13;
	_ =	sdelay $0x1  }
0x79: {  	(erf) = vpow2.f32 v13;
	[tilespmem:s29+$0x7230] =	vst v12  }
0x7a: {  	v12 =	vld.idx.msk [tilespmem:v10+s22+$0x0], $0xffff;
	_ =	sdelay $0x4  }
.Ltmp1:
0x7b: {  	(pc) =	sbr.rel @p0 .LBB2_5-.Ltmp1, $3  }
0x7c: {  	v12 =	vmul.f32 v12, v17;
	_ =	sdelay $0x1  }
0x7d: {  	v13 =	vpop (erf);
	[tilespmem:s29+$0x7240] =	vst v12;
	s29 =	smov.u32 s28;
	s28 =	smov.u32 s31  }
0x7e: {  	[tilespmem:$0x7100] =	vst v13  }
0x7f: {  	_ =	sdelay $0x3  }
0x80: {  	v12 =	vld.idx.msk [tilespmem:v1+s22+$0x0], $0xffff  }
0x81: {  	v13 =	vld [tilespmem:s29+$0x100];
	_ =	sdelay $0x4  }
0x82: {  	v12 =	vmul.f32 v12, v13;
	_ =	sdelay $0x1  }
0x83: {  	v39 =	vld [tilespmem:s29+$0x110];
	[tilespmem:s29+$0x7180] =	vst v12  }
0x84: {  	v12 =	vld.idx.msk [tilespmem:v2+s22+$0x0], $0xffff;
	_ =	sdelay $0x4  }
0x85: {  	v40 =	vld [tilespmem:s29+$0x39E0];
	v12 =	vmul.f32 v12, v39  }
0x86: {  	v14 =	vld [tilespmem:s29+$0x1D0]  }
0x87: {  	v15 =	vld [tilespmem:s29+$0x120];
	[tilespmem:s29+$0x7190] =	vst v12  }
0x88: {  	v12 =	vld.idx.msk [tilespmem:v3+s22+$0x0], $0xffff;
	_ =	sdelay $0x4  }
0x89: {  	v13 =	vadd.f32 v40, v14;
	v12 =	vmul.f32 v12, v15;
	_ =	sdelay $0x1  }
0x8a: {  	v41 =	vld [tilespmem:s29+$0x130];
	v42 =	vmul.f32 $2.000000030e-01, v13;
	[tilespmem:s29+$0x71A0] =	vst v12  }
0x8b: {  	vm0 =	vgt.f32 v13, $0.0e+00;
	v12 =	vld.idx.msk [tilespmem:v4+s22+$0x0], $0xffff  }
0x8c: {  	v13 =	vsel vm0, v13, v42  }
0x8d: {  	v13 =	vsub.f32 v13, v11;
	_ =	sdelay $0x1  }
0x8e: {  	v13 =	vmul.f32 $1.442695020e+00, v13  }
0x8f: {  	v12 =	vmul.f32 v12, v41  }
0x90: {  	(erf) = vpow2.f32 v13  }
0x91: {  	v16 =	vld [tilespmem:s29+$0x140];
	[tilespmem:s29+$0x71B0] =	vst v12  }
0x92: {  	v12 =	vld.idx.msk [tilespmem:v7+s22+$0x0], $0xffff;
	_ =	sdelay $0x4  }
0x93: {  	v12 =	vmul.f32 v12, v16;
	_ =	sdelay $0x1  }
0x94: {  	v13 =	vpop (erf);
	[tilespmem:s29+$0x71C0] =	vst v12  }
0x95: {  	[tilespmem:$0x7110] =	vst v13  }
0x96: {  	v12 =	vld.idx.msk [tilespmem:v5+s22+$0x0], $0xffff  }
0x97: {  	v13 =	vld [tilespmem:s29+$0x180];
	_ =	sdelay $0x4  }
0x98: {  	v12 =	vmul.f32 v12, v13;
	_ =	sdelay $0x1  }
0x99: {  	v44 =	vld [tilespmem:s29+$0x190];
	[tilespmem:s29+$0x7200] =	vst v12  }
0x9a: {  	v12 =	vld.idx.msk [tilespmem:v6+s22+$0x0], $0xffff;
	_ =	sdelay $0x4  }
0x9b: {  	v12 =	vmul.f32 v12, v44;
	_ =	sdelay $0x1  }
0x9c: {  	v43 =	vld [tilespmem:s29+$0x1A0];
	[tilespmem:s29+$0x7210] =	vst v12  }
0x9d: {  	v12 =	vld.idx.msk [tilespmem:v8+s22+$0x0], $0xffff  }
0x9e: {  	v47 =	vld [tilespmem:s28+$0x150]  }
0x9f: {  	v17 =	vld [tilespmem:s28+$0x3960];
	_ =	sdelay $0x4  }
0xa0: {  	v12 =	vmul.f32 v12, v43;
	v48 =	vadd.f32 v17, v47;
	_ =	sdelay $0x1  }
0xa1: {  	v45 =	vld [tilespmem:s29+$0x1B0];
	[tilespmem:s29+$0x7220] =	vst v12;
	v49 =	vmul.f32 $2.000000030e-01, v48  }
0xa2: {  	vm14 =	vgt.f32 v48, $0.0e+00;
	v50 =	vld.idx.msk [tilespmem:v9+s22+$0x0], $0xffff  }
0xa3: {  	v12 =	vsel vm14, v48, v49  }
0xa4: {  	v12 =	vsub.f32 v12, v11;
	_ =	sdelay $0x1  }
0xa5: {  	v12 =	vmul.f32 $1.442695020e+00, v12  }
0xa6: {  	v51 =	vmul.f32 v50, v45  }
0xa7: {  	(erf) = vpow2.f32 v12  }
0xa8: {  	v46 =	vld [tilespmem:s29+$0x1C0];
	[tilespmem:s29+$0x7230] =	vst v51  }
0xa9: {  	v52 =	vld.idx.msk [tilespmem:v10+s22+$0x0], $0xffff;
	_ =	sdelay $0x4  }
0xaa: {  	v12 =	vmul.f32 v52, v46;
	_ =	sdelay $0x1  }
0xab: {  	v53 =	vpop (erf);
	[tilespmem:s29+$0x7240] =	vst v12  }
0xac: {  	[tilespmem:$0x7100] =	vst v53  }
0xad: {  	v12 =	vld.idx.msk [tilespmem:v1+s22+$0x0], $0xffff  }
0xae: {  	v13 =	vld [tilespmem:s28+$0x100];
	_ =	sdelay $0x4  }
0xaf: {  	v12 =	vmul.f32 v12, v13;
	_ =	sdelay $0x1  }
0xb0: {  	v54 =	vld [tilespmem:s28+$0x110];
	[tilespmem:s28+$0x7180] =	vst v12  }
0xb1: {  	v12 =	vld.idx.msk [tilespmem:v2+s22+$0x0], $0xffff;
	_ =	sdelay $0x4  }
0xb2: {  	v55 =	vld [tilespmem:s28+$0x39E0];
	v12 =	vmul.f32 v12, v54  }
0xb3: {  	v14 =	vld [tilespmem:s28+$0x1D0]  }
0xb4: {  	v56 =	vld [tilespmem:s28+$0x120];
	[tilespmem:s28+$0x7190] =	vst v12  }
0xb5: {  	v12 =	vld.idx.msk [tilespmem:v3+s22+$0x0], $0xffff;
	_ =	sdelay $0x4  }
0xb6: {  	v13 =	vadd.f32 v55, v14;
	v12 =	vmul.f32 v12, v56;
	_ =	sdelay $0x1  }
0xb7: {  	v58 =	vld [tilespmem:s28+$0x130];
	v59 =	vmul.f32 $2.000000030e-01, v13;
	[tilespmem:s28+$0x71A0] =	vst v12  }
0xb8: {  	vm15 =	vgt.f32 v13, $0.0e+00;
	v12 =	vld.idx.msk [tilespmem:v4+s22+$0x0], $0xffff  }
0xb9: {  	v13 =	vsel vm15, v13, v59  }
0xba: {  	v13 =	vsub.f32 v13, v11;
	_ =	sdelay $0x1  }
0xbb: {  	v13 =	vmul.f32 $1.442695020e+00, v13  }
0xbc: {  	v12 =	vmul.f32 v12, v58  }
0xbd: {  	(erf) = vpow2.f32 v13  }
0xbe: {  	v57 =	vld [tilespmem:s28+$0x140];
	[tilespmem:s28+$0x71B0] =	vst v12  }
0xbf: {  	v12 =	vld.idx.msk [tilespmem:v7+s22+$0x0], $0xffff;
	_ =	sdelay $0x4  }
0xc0: {  	v12 =	vmul.f32 v12, v57;
	_ =	sdelay $0x1  }
0xc1: {  	v13 =	vpop (erf);
	[tilespmem:s28+$0x71C0] =	vst v12  }
0xc2: {  	[tilespmem:$0x7110] =	vst v13  }
0xc3: {  	v12 =	vld.idx.msk [tilespmem:v5+s22+$0x0], $0xffff  }
0xc4: {  	v13 =	vld [tilespmem:s28+$0x180];
	_ =	sdelay $0x4  }
0xc5: {  	v12 =	vmul.f32 v12, v13;
	_ =	sdelay $0x1  }
0xc6: {  	v61 =	vld [tilespmem:s28+$0x190];
	[tilespmem:s28+$0x7200] =	vst v12  }
0xc7: {  	v12 =	vld.idx.msk [tilespmem:v6+s22+$0x0], $0xffff;
	_ =	sdelay $0x4  }
0xc8: {  	v12 =	vmul.f32 v12, v61;
	_ =	sdelay $0x1  }
0xc9: {  	v60 =	vld [tilespmem:s28+$0x1A0];
	[tilespmem:s28+$0x7210] =	vst v12  }
0xca: {  	v12 =	vld.idx.msk [tilespmem:v8+s22+$0x0], $0xffff;
	_ =	sdelay $0x4  }
0xcb: {  	v12 =	vmul.f32 v12, v60;
	_ =	sdelay $0x1  }
0xcc: {  	v62 =	vld [tilespmem:s28+$0x1B0];
	[tilespmem:s28+$0x7220] =	vst v12  }
0xcd: {  	v12 =	vld.idx.msk [tilespmem:v9+s22+$0x0], $0xffff;
	_ =	sdelay $0x4  }
0xce: {  	v12 =	vmul.f32 v12, v62;
	_ =	sdelay $0x1  }
0xcf: {  	v63 =	vld [tilespmem:s28+$0x1C0];
	[tilespmem:s28+$0x7230] =	vst v12  }
0xd0: {  	v12 =	vld.idx.msk [tilespmem:v10+s22+$0x0], $0xffff;
	_ =	sdelay $0x4  }
0xd1: {  	s26 =	sadd.s32 $0x1, s26;
	v12 =	vmul.f32 v12, v63  }
0xd2: {  	p0 =	sne.s32 s26, $0xB6  }
.Ltmp2:
0xd3: {  	[tilespmem:s28+$0x7240] =	vst v12;
	(pc) =	sbr.rel @p0 .LBB2_4-.Ltmp2, $4  }
0xd4: {  	[spmem:s5] =	stream.indirect.scatter.add.f32 [tilespmem:s23], [sflag:$0x3], $0x80, s16, s17, $0xb8;
	[tilespmem:$0x1E980] =	vst v63  }
0xd5: {  	_ =	swait.ge [sflag:s14], $0x3800  }
0xd6: {  	[sflag:s14] =	ssyncset.done $0x0  }
0xd7: {  	[sflag:s14] =	ssyncadd.s32 $0xFFFFC800  }
0xd8: {  	s24 =	sadd.s32 $0x1, s24  }
0xd9: {  	p0 =	sne.s32 s24, s12  }
.Ltmp3:
0xda: {  	[bflag:$0x0] =	sbarrier.arrive $0xFFFF;
	(pc) =	sbr.rel @p0 .LBB2_1-.Ltmp3, $4  }
0xdb: {  	[hbm:s11], [sflag:s9] =	dma.local [spmem:s13], $0x2780  }
0xdc: {  	_ =	swait.ge [sflag:s14], $0x2780  }
0xdd: {  	[sflag:s14] =	ssyncset.done $0x0  }
0xde: {  	[sflag:s14] =	ssyncadd.s32 $0xFFFFD880  }
0xdf: {  	_ =	sfence.sel $0x180000  }
0xe0: {  	[bflag:$0x0] =	sbarrier.arrive $0xFFFF  }
0xe1: {  	p0 =	sne.s32 s3, $0x0;
	_ =	strace $0x90000047  }
0xe2: {  	s0 =	sadd.s32 @!p0 $0x100000, s0;
	[bflag:$0x2] =	sbarrier.arrive $0xFFFF  }
0xe3: {  	[sflag:s0] =	ssyncadd.tile.s32 @!p0 $0x1;
	_ =	shalt  }
.Lfunc_end2:
_tile_overlayer_lowered:
.L_overlay_start_2:
0xe4: {  	(tag) =	ssettag $0x2  }
0xe5: {  	s0 =	rddreg [dreg:$0x0];
	s2 =	stileid.u32  }
0xe6: {  	s1 =	rddreg [dreg:$0x1];
	p0 =	sne.s32 s2, $0x0  }
0xe7: {  	s3 =	rddreg [dreg:$0x2];
	[bflag:$0x3] =	sbarrier.arrive $0xFFFF;
	s2 =	simm.s32 @!p0 $0x1C03  }
0xe8: {  	[timem:s3], [sflag:s2] =	dma.local @!p0 [hbm:s0], s1  }
0xe9: {  	s0 =	simm.s32 @!p0 $0x3  }
0xea: {  	_ =	swait.ge @!p0 [sflag:s0], s1  }
0xeb: {  	s1 =	ssub.s32 @!p0 $0x0, s1;
	[sflag:s0] =	ssyncset.done @!p0 $0x0  }
0xec: {  	[sflag:s0] =	ssyncadd.s32 @!p0 s1  }
0xed: {  	[bflag:$0x3] =	sbarrier.arrive $0xFFFF  }
0xee: {  	_ =	shalt  }

</sc_bundles>
